<compile_context>
chip_gen: v7x
topology: tpu7x:2x2x1
jax: 0.10.2.dev20260603
libtpu: 0.0.44.dev20260713+nightly
codegen_flags: <defaults>
</compile_context>

<pallas_src>
import functools

import jax
import jax.numpy as jnp
from jax.experimental import pallas as pl
from jax.experimental.pallas import tpu as pltpu
from jax.experimental.pallas import tpu_sc as plsc

_V = 100000
_EPS = 0.1
_CONF = 1.0 - _EPS
_SMOOTH = _EPS / (_V - 2)
_IGNORE = 0

_LANES = 128
_VA = _V // _LANES * _LANES
_CMAX = (_V - 160) // _LANES * _LANES
_TAIL = _CMAX + _LANES
_BR = 32

_SCL = 16
_NVREG = _V // _SCL
_UNROLL = 25
_NITER = _NVREG // _UNROLL
_ROWS_SC = 256
_N_TC = 1024 - _ROWS_SC


def _tc_kernel(t_sm, x_ref, pred_any, t_ref, out_ref, scout_ref,
               sliver_ref, sliver2_ref, sem):
    bi = pl.program_id(0)
    base = bi * _BR

    def _sliver_copy(local):
        r = base + local
        c = jnp.minimum((t_sm[r] // _LANES) * _LANES, _CMAX)
        return pltpu.make_async_copy(
            pred_any.at[r, pl.ds(c, _LANES)], sliver_ref.at[local], sem)

    def _sliver2_copy(local):
        r = _N_TC + local
        c = jnp.minimum((t_sm[r] // _LANES) * _LANES, _CMAX)
        return pltpu.make_async_copy(
            pred_any.at[r, pl.ds(c, _LANES)], sliver2_ref.at[local], sem)

    def _issue(local, carry):
        _sliver_copy(local).start()
        return carry

    def _issue2(local, carry):
        _sliver2_copy(local).start()
        return carry

    jax.lax.fori_loop(0, _BR, _issue, 0)

    @pl.when(bi == 0)
    def _():
        jax.lax.fori_loop(0, _ROWS_SC, _issue2, 0)

    x = x_ref[...]
    xa = x[:, :_VA]
    xt = x[:, _VA:_V]
    m = jnp.maximum(jnp.max(xa, axis=1, keepdims=True),
                    jnp.max(xt, axis=1, keepdims=True))
    rowsum = (jnp.sum(xa, axis=1, keepdims=True)
              + jnp.sum(xt, axis=1, keepdims=True))
    es = (jnp.sum(jnp.exp(xa - m), axis=1, keepdims=True)
          + jnp.sum(jnp.exp(xt - m), axis=1, keepdims=True))
    p0 = x[:, 0:1]

    t = t_ref[...]
    tail_ids = _VA + jax.lax.broadcasted_iota(jnp.int32, (_BR, _V - _VA), 1)
    pt_tail = jnp.sum(jnp.where(tail_ids == t, xt, 0.0), axis=1,
                      keepdims=True)

    def _wait(local, carry):
        _sliver_copy(local).wait()
        return carry

    def _wait2(local, carry):
        _sliver2_copy(local).wait()
        return carry

    jax.lax.fori_loop(0, _BR, _wait, 0)

    @pl.when(bi == 0)
    def _():
        jax.lax.fori_loop(0, _ROWS_SC, _wait2, 0)
        scout_ref[...] = sliver2_ref[...]

    g = sliver_ref[...]
    c_vec = jnp.minimum((t // _LANES) * _LANES, _CMAX)
    lane = t - c_vec
    lane_ids = jax.lax.broadcasted_iota(jnp.int32, (_BR, _LANES), 1)
    pt_sliver = jnp.sum(jnp.where(lane_ids == lane, g, 0.0), axis=1,
                        keepdims=True)
    pt = jnp.where(t >= _TAIL, pt_tail, pt_sliver)

    lse = m + jnp.log(es)
    logp_t = pt - lse
    logp_0 = p0 - lse
    s_row = rowsum - jnp.float32(_V) * lse
    contrib = _SMOOTH * (s_row - logp_t - logp_0) + _CONF * logp_t
    rmask = t != _IGNORE
    contrib = jnp.where(rmask, contrib, 0.0)
    csum = jnp.sum(contrib).reshape(1, 1)
    nv = jnp.sum(rmask.astype(jnp.float32)).reshape(1, 1)
    out_ref[...] = jnp.concatenate([csum, nv], axis=1).reshape(1, 1, 2)


def _sc_stats(pred2):
    info = plsc.get_sparse_core_info()
    nw = info.num_cores * info.num_subcores
    nr = _ROWS_SC // nw
    mesh = plsc.VectorSubcoreMesh(core_axis_name="c", subcore_axis_name="s")
    stat = jax.ShapeDtypeStruct((_ROWS_SC * _SCL,), jnp.float32)

    @functools.partial(
        pl.kernel,
        mesh=mesh,
        out_type=[stat, stat, stat, stat],
        scratch_types=[
            pltpu.VMEM((_V,), jnp.float32),
            pltpu.VMEM((nr * _SCL,), jnp.float32),
            pltpu.VMEM((nr * _SCL,), jnp.float32),
            pltpu.VMEM((nr * _SCL,), jnp.float32),
            pltpu.VMEM((nr * _SCL,), jnp.float32),
        ],
    )
    def k(pred_hbm, m_out, sum_out, es_out, p0_out,
          row_v, m_b, s_b, e_b, p0_b):
        wid = jax.lax.axis_index("s") * info.num_cores + jax.lax.axis_index("c")
        base = wid * nr

        def row_body(l, carry):
            row = _N_TC + base + l
            pltpu.sync_copy(pred_hbm.at[row], row_v)

            def p1(i, c):
                mv, sv = c
                b = i * (_UNROLL * _SCL)
                for u in range(_UNROLL):
                    v = row_v[pl.ds(b + u * _SCL, _SCL)]
                    mv = jnp.maximum(mv, v)
                    sv = sv + v
                return mv, sv

            mv, sv = jax.lax.fori_loop(
                0, _NITER, p1,
                (jnp.full((_SCL,), -jnp.inf, jnp.float32),
                 jnp.zeros((_SCL,), jnp.float32)))

            def p2(i, ev):
                b = i * (_UNROLL * _SCL)
                for u in range(_UNROLL):
                    v = row_v[pl.ds(b + u * _SCL, _SCL)]
                    ev = ev + jnp.exp(v - mv)
                return ev

            ev = jax.lax.fori_loop(0, _NITER, p2,
                                   jnp.zeros((_SCL,), jnp.float32))

            m_b[pl.ds(l * _SCL, _SCL)] = mv
            s_b[pl.ds(l * _SCL, _SCL)] = sv
            e_b[pl.ds(l * _SCL, _SCL)] = ev
            p0_b[pl.ds(l * _SCL, _SCL)] = row_v[pl.ds(0, _SCL)]
            return carry

        jax.lax.fori_loop(0, nr, row_body, 0)

        obase = base * _SCL
        pltpu.sync_copy(m_b, m_out.at[pl.ds(obase, nr * _SCL)])
        pltpu.sync_copy(s_b, sum_out.at[pl.ds(obase, nr * _SCL)])
        pltpu.sync_copy(e_b, es_out.at[pl.ds(obase, nr * _SCL)])
        pltpu.sync_copy(p0_b, p0_out.at[pl.ds(obase, nr * _SCL)])

    return k(pred2)


def _combine_kernel(p_ref, m_ref, sum_ref, es_ref, p0_ref, sliv_ref,
                    xt_ref, tsc_ref, out_ref):
    p = p_ref[...].reshape(-1, 2)
    csum_tc = jnp.sum(p[:, 0:1])
    nv_tc = jnp.sum(p[:, 1:2])

    m2 = m_ref[...]
    m_row = jnp.max(m2, axis=1, keepdims=True)
    es_row = jnp.sum(es_ref[...] * jnp.exp(m2 - m_row), axis=1, keepdims=True)
    sum_row = jnp.sum(sum_ref[...], axis=1, keepdims=True)
    p0_row = p0_ref[...][:, 0:1]

    t = tsc_ref[...]
    g = sliv_ref[...]
    c_vec = jnp.minimum((t // _LANES) * _LANES, _CMAX)
    lane = t - c_vec
    lane_ids = jax.lax.broadcasted_iota(jnp.int32, (_ROWS_SC, _LANES), 1)
    pt_sliver = jnp.sum(jnp.where(lane_ids == lane, g, 0.0), axis=1,
                        keepdims=True)
    xt = xt_ref[...]
    tail_ids = _VA + jax.lax.broadcasted_iota(jnp.int32, (_ROWS_SC, _V - _VA),
                                              1)
    pt_tail = jnp.sum(jnp.where(tail_ids == t, xt, 0.0), axis=1,
                      keepdims=True)
    pt_row = jnp.where(t >= _TAIL, pt_tail, pt_sliver)

    lse = m_row + jnp.log(es_row)
    logp_t = pt_row - lse
    logp_0 = p0_row - lse
    s_row = sum_row - jnp.float32(_V) * lse
    contrib = _SMOOTH * (s_row - logp_t - logp_0) + _CONF * logp_t
    rmask = t != _IGNORE
    contrib = jnp.where(rmask, contrib, 0.0)
    csum = csum_tc + jnp.sum(contrib)
    nv = nv_tc + jnp.sum(rmask.astype(jnp.float32))
    out_ref[...] = (-csum / jnp.maximum(nv, 1.0)).reshape(1, 1)


def kernel(pred, target):
    pred2 = pred.reshape(-1, pred.shape[-1])
    n = pred2.shape[0]
    t = target.reshape(n).astype(jnp.int32)
    nb = _N_TC // _BR

    m_sc, sum_sc, es_sc, p0_sc = _sc_stats(pred2)

    grid_spec = pltpu.PrefetchScalarGridSpec(
        num_scalar_prefetch=1,
        grid=(nb,),
        in_specs=[
            pl.BlockSpec((_BR, _V), lambda b, t_sm: (b, 0)),
            pl.BlockSpec(memory_space=pltpu.MemorySpace.HBM),
            pl.BlockSpec((_BR, 1), lambda b, t_sm: (b, 0)),
        ],
        out_specs=[
            pl.BlockSpec((1, 1, 2), lambda b, t_sm: (b, 0, 0)),
            pl.BlockSpec((_ROWS_SC, _LANES), lambda b, t_sm: (0, 0)),
        ],
        scratch_shapes=[
            pltpu.VMEM((_BR, _LANES), jnp.float32),
            pltpu.VMEM((_ROWS_SC, _LANES), jnp.float32),
            pltpu.SemaphoreType.DMA,
        ],
    )
    partials, slivers_sc = pl.pallas_call(
        _tc_kernel,
        grid_spec=grid_spec,
        out_shape=[
            jax.ShapeDtypeStruct((nb, 1, 2), jnp.float32),
            jax.ShapeDtypeStruct((_ROWS_SC, _LANES), jnp.float32),
        ],
    )(t, pred2, pred2, t.reshape(n, 1))

    out = pl.pallas_call(
        _combine_kernel,
        out_shape=jax.ShapeDtypeStruct((1, 1), jnp.float32),
    )(partials,
      m_sc.reshape(_ROWS_SC, _SCL), sum_sc.reshape(_ROWS_SC, _SCL),
      es_sc.reshape(_ROWS_SC, _SCL), p0_sc.reshape(_ROWS_SC, _SCL),
      slivers_sc, pred2[_N_TC:, _VA:], t[_N_TC:].reshape(_ROWS_SC, 1))
    return out[0, 0]

# --- scband reference (transcript-rebuilt; emitter-appended) ---
"""Pipeline reference for scband-label-smoothing-loss-73632919323173 (READ-ONLY COPY).

The authoritative reference and input builder live on the scoring server;
editing this copy changes nothing except your own understanding.
"""

import jax, jax.numpy as jnp
import numpy as np

LABEL_SMOOTHING = 0.1
TGT_VOCAB = 100000
IGNORE_INDEX = 0
CONFIDENCE = 1.0 - LABEL_SMOOTHING


def setup_inputs(seed: int = 0) -> dict:
    key = jax.random.key(seed)
    k1, k2 = jax.random.split(key)
    pred = jax.random.normal(k1, (1024, TGT_VOCAB), dtype=jnp.float32)
    target = jax.random.randint(k2, (1024,), 0, TGT_VOCAB, dtype=jnp.int32)
    return {"pred": pred, "target": target}


def reference(pred, target):
    V = TGT_VOCAB
    pred2 = pred.reshape(-1, pred.shape[-1])
    t = target.reshape(-1)
    mask = t != IGNORE_INDEX
    n_valid = jnp.sum(mask)
    # build smoothed target distribution (no grad, like torch.no_grad())
    true_dist = jnp.full(pred2.shape, LABEL_SMOOTHING / (V - 2), dtype=pred2.dtype)
    rows = jnp.arange(t.shape[0])
    true_dist = true_dist.at[rows, t].set(CONFIDENCE)  # scatter confidence at target
    true_dist = true_dist.at[:, IGNORE_INDEX].set(0.0)
    true_dist = jnp.where(mask[:, None], true_dist, 0.0)  # zero rows with ignored target
    true_dist = jax.lax.stop_gradient(true_dist)
    logp = jax.nn.log_softmax(pred2, axis=-1)
    # true_dist is exactly zero on ignored rows, so masked-row selection in the
    # original torch code is equivalent to summing the full product.
    loss = jnp.sum(-true_dist * logp) / jnp.maximum(n_valid, 1).astype(pred2.dtype)
    return loss

if __name__ == "__main__":
    import jax
    _d = setup_inputs()
    print(jax.jit(kernel)(*tuple(_d.values())))

</pallas_src>

<mosaic_0001>
#map = affine_map<(d0, d1) -> (0, 0)>
#map1 = affine_map<(d0, d1) -> (0)>
module attributes {stable_mosaic.version = 14 : i64} {
  func.func @k(%arg0: i32, %arg1: i32, %arg2: memref<1024x100000xf32, #tpu.memory_space<hbm>>, %arg3: memref<4096xf32, #tpu.memory_space<hbm>>, %arg4: memref<4096xf32, #tpu.memory_space<hbm>>, %arg5: memref<4096xf32, #tpu.memory_space<hbm>>, %arg6: memref<4096xf32, #tpu.memory_space<hbm>>, %arg7: memref<100000xf32, #tpu.memory_space<vmem>>, %arg8: memref<128xf32, #tpu.memory_space<vmem>>, %arg9: memref<128xf32, #tpu.memory_space<vmem>>, %arg10: memref<128xf32, #tpu.memory_space<vmem>>, %arg11: memref<128xf32, #tpu.memory_space<vmem>>) attributes {dimension_semantics = [#tpu.dimension_semantics<core_parallel>, #tpu.dimension_semantics<subcore_parallel>], iteration_bounds = array<i64: 2, 16>, scalar_prefetch = 0 : i64, scratch_operands = 5 : i64, tpu.core_type = #tpu.core_type<sc_vector_subcore>, window_params = [{transform_indices = #map}, {transform_indices = #map1}, {transform_indices = #map1}, {transform_indices = #map1}, {transform_indices = #map1}]} {
    %mul3A = arith.constant 2 : i32
    %mul3A_0 = arith.muli %arg1, %mul3A : i32
    %add3A = arith.addi %mul3A_0, %arg0 : i32
    %mul3A_1 = arith.constant 8 : i32
    %mul3A_2 = arith.muli %add3A, %mul3A_1 : i32
    %scan3A = arith.constant 0 : i32
    %scan3A_3 = arith.constant 0 : i32
    %scan3A_4 = arith.constant 8 : i32
    %scan3A_5 = arith.addi %scan3A_3, %scan3A_4 : i32
    %scan3A_6 = arith.constant 1 : i32
    scf.for %scan3A_10 = %scan3A_3 to %scan3A_5 step %scan3A_6  : i32 {
      %add3A_11 = arith.constant 768 : i32
      %add3A_12 = arith.addi %add3A_11, %mul3A_2 : i32
      %add3A_13 = arith.addi %add3A_12, %scan3A_10 : i32
      "tpu.region"() ({
        %run_scoped3A = tpu.sem_alloc : memref<!tpu.dma_semaphore, #tpu.memory_space<semaphore_mem>>
        %dma_start3A = arith.constant 0 : i32
        %dma_start3A_56 = tpu.memref_slice %arg2[%add3A_13, %dma_start3A] : memref<1024x100000xf32, #tpu.memory_space<hbm>> -> memref<1x100000xf32, #tpu.memory_space<hbm>>
        %dma_start3A_57 = tpu.memref_squeeze %dma_start3A_56 : memref<1x100000xf32, #tpu.memory_space<hbm>> -> memref<100000xf32, #tpu.memory_space<hbm>>
        %dma_start3A_58 = arith.constant 0 : i32
        %dma_start3A_59 = tpu.memref_slice %arg2[%add3A_13, %dma_start3A_58] : memref<1024x100000xf32, #tpu.memory_space<hbm>> -> memref<1x100000xf32, #tpu.memory_space<hbm>>
        %dma_start3A_60 = tpu.memref_squeeze %dma_start3A_59 : memref<1x100000xf32, #tpu.memory_space<hbm>> -> memref<100000xf32, #tpu.memory_space<hbm>>
        tpu.enqueue_dma source(%dma_start3A_60 : memref<100000xf32, #tpu.memory_space<hbm>>) target(%arg7 : memref<100000xf32, #tpu.memory_space<vmem>>) target_semaphore(%run_scoped3A : memref<!tpu.dma_semaphore, #tpu.memory_space<semaphore_mem>>)
        %dma_wait3A = arith.constant 0 : i32
        %dma_wait3A_61 = tpu.memref_slice %arg2[%add3A_13, %dma_wait3A] : memref<1024x100000xf32, #tpu.memory_space<hbm>> -> memref<1x100000xf32, #tpu.memory_space<hbm>>
        %dma_wait3A_62 = tpu.memref_squeeze %dma_wait3A_61 : memref<1x100000xf32, #tpu.memory_space<hbm>> -> memref<100000xf32, #tpu.memory_space<hbm>>
        %dma_wait3A_63 = arith.constant 0 : i32
        %dma_wait3A_64 = tpu.memref_slice %arg2[%add3A_13, %dma_wait3A_63] : memref<1024x100000xf32, #tpu.memory_space<hbm>> -> memref<1x100000xf32, #tpu.memory_space<hbm>>
        %dma_wait3A_65 = tpu.memref_squeeze %dma_wait3A_64 : memref<1x100000xf32, #tpu.memory_space<hbm>> -> memref<100000xf32, #tpu.memory_space<hbm>>
        tpu.wait_dma2 semaphore(%run_scoped3A : memref<!tpu.dma_semaphore, #tpu.memory_space<semaphore_mem>>) src(%dma_wait3A_65 : memref<100000xf32, #tpu.memory_space<hbm>>) dst(%arg7 : memref<100000xf32, #tpu.memory_space<vmem>>)
        tpu.yield
      }) : () -> ()
      %broadcast_in_dim3A = arith.constant 0xFF800000 : f32
      %broadcast_in_dim3A_14 = vector.broadcast %broadcast_in_dim3A : f32 to vector<16xf32>
      %broadcast_in_dim3A_15 = arith.constant 0.000000e+00 : f32
      %broadcast_in_dim3A_16 = vector.broadcast %broadcast_in_dim3A_15 : f32 to vector<16xf32>
      %scan3A_17 = arith.constant 0 : i32
      %scan3A_18 = arith.constant 250 : i32
      %scan3A_19 = arith.addi %scan3A_17, %scan3A_18 : i32
      %scan3A_20 = arith.constant 1 : i32
      %scan3A_21:2 = scf.for %scan3A_56 = %scan3A_17 to %scan3A_19 step %scan3A_20 iter_args(%scan3A_57 = %broadcast_in_dim3A_14, %scan3A_58 = %broadcast_in_dim3A_16) -> (vector<16xf32>, vector<16xf32>)  : i32 {
        %mul3A_59 = arith.constant 400 : i32
        %mul3A_60 = arith.muli %scan3A_56, %mul3A_59 : i32
        %add3A_61 = arith.constant 0 : i32
        %add3A_62 = arith.addi %mul3A_60, %add3A_61 : i32
        %get3A_63 = arith.index_cast %add3A_62 : i32 to index
        %get3A_64 = tpu.vector_load %arg7[%get3A_63] {strides = array<i32>} : memref<100000xf32, #tpu.memory_space<vmem>>, vector<16xf32>,
        %get3A_65 = vector.shape_cast %get3A_64 : vector<16xf32> to vector<16xf32>
        %max3A = arith.maximumf %scan3A_57, %get3A_65 : vector<16xf32>
        %add3A_66 = arith.addf %scan3A_58, %get3A_65 : vector<16xf32>
        %add3A_67 = arith.constant 16 : i32
        %add3A_68 = arith.addi %mul3A_60, %add3A_67 : i32
        %get3A_69 = arith.index_cast %add3A_68 : i32 to index
        %get3A_70 = tpu.vector_load %arg7[%get3A_69] {strides = array<i32>} : memref<100000xf32, #tpu.memory_space<vmem>>, vector<16xf32>,
        %get3A_71 = vector.shape_cast %get3A_70 : vector<16xf32> to vector<16xf32>
        %max3A_72 = arith.maximumf %max3A, %get3A_71 : vector<16xf32>
        %add3A_73 = arith.addf %add3A_66, %get3A_71 : vector<16xf32>
        %add3A_74 = arith.constant 32 : i32
        %add3A_75 = arith.addi %mul3A_60, %add3A_74 : i32
        %get3A_76 = arith.index_cast %add3A_75 : i32 to index
        %get3A_77 = tpu.vector_load %arg7[%get3A_76] {strides = array<i32>} : memref<100000xf32, #tpu.memory_space<vmem>>, vector<16xf32>,
        %get3A_78 = vector.shape_cast %get3A_77 : vector<16xf32> to vector<16xf32>
        %max3A_79 = arith.maximumf %max3A_72, %get3A_78 : vector<16xf32>
        %add3A_80 = arith.addf %add3A_73, %get3A_78 : vector<16xf32>
        %add3A_81 = arith.constant 48 : i32
        %add3A_82 = arith.addi %mul3A_60, %add3A_81 : i32
        %get3A_83 = arith.index_cast %add3A_82 : i32 to index
        %get3A_84 = tpu.vector_load %arg7[%get3A_83] {strides = array<i32>} : memref<100000xf32, #tpu.memory_space<vmem>>, vector<16xf32>,
        %get3A_85 = vector.shape_cast %get3A_84 : vector<16xf32> to vector<16xf32>
        %max3A_86 = arith.maximumf %max3A_79, %get3A_85 : vector<16xf32>
        %add3A_87 = arith.addf %add3A_80, %get3A_85 : vector<16xf32>
        %add3A_88 = arith.constant 64 : i32
        %add3A_89 = arith.addi %mul3A_60, %add3A_88 : i32
        %get3A_90 = arith.index_cast %add3A_89 : i32 to index
        %get3A_91 = tpu.vector_load %arg7[%get3A_90] {strides = array<i32>} : memref<100000xf32, #tpu.memory_space<vmem>>, vector<16xf32>,
        %get3A_92 = vector.shape_cast %get3A_91 : vector<16xf32> to vector<16xf32>
        %max3A_93 = arith.maximumf %max3A_86, %get3A_92 : vector<16xf32>
        %add3A_94 = arith.addf %add3A_87, %get3A_92 : vector<16xf32>
        %add3A_95 = arith.constant 80 : i32
        %add3A_96 = arith.addi %mul3A_60, %add3A_95 : i32
        %get3A_97 = arith.index_cast %add3A_96 : i32 to index
        %get3A_98 = tpu.vector_load %arg7[%get3A_97] {strides = array<i32>} : memref<100000xf32, #tpu.memory_space<vmem>>, vector<16xf32>,
        %get3A_99 = vector.shape_cast %get3A_98 : vector<16xf32> to vector<16xf32>
        %max3A_100 = arith.maximumf %max3A_93, %get3A_99 : vector<16xf32>
        %add3A_101 = arith.addf %add3A_94, %get3A_99 : vector<16xf32>
        %add3A_102 = arith.constant 96 : i32
        %add3A_103 = arith.addi %mul3A_60, %add3A_102 : i32
        %get3A_104 = arith.index_cast %add3A_103 : i32 to index
        %get3A_105 = tpu.vector_load %arg7[%get3A_104] {strides = array<i32>} : memref<100000xf32, #tpu.memory_space<vmem>>, vector<16xf32>,
        %get3A_106 = vector.shape_cast %get3A_105 : vector<16xf32> to vector<16xf32>
        %max3A_107 = arith.maximumf %max3A_100, %get3A_106 : vector<16xf32>
        %add3A_108 = arith.addf %add3A_101, %get3A_106 : vector<16xf32>
        %add3A_109 = arith.constant 112 : i32
        %add3A_110 = arith.addi %mul3A_60, %add3A_109 : i32
        %get3A_111 = arith.index_cast %add3A_110 : i32 to index
        %get3A_112 = tpu.vector_load %arg7[%get3A_111] {strides = array<i32>} : memref<100000xf32, #tpu.memory_space<vmem>>, vector<16xf32>,
        %get3A_113 = vector.shape_cast %get3A_112 : vector<16xf32> to vector<16xf32>
        %max3A_114 = arith.maximumf %max3A_107, %get3A_113 : vector<16xf32>
        %add3A_115 = arith.addf %add3A_108, %get3A_113 : vector<16xf32>
        %add3A_116 = arith.constant 128 : i32
        %add3A_117 = arith.addi %mul3A_60, %add3A_116 : i32
        %get3A_118 = arith.index_cast %add3A_117 : i32 to index
        %get3A_119 = tpu.vector_load %arg7[%get3A_118] {strides = array<i32>} : memref<100000xf32, #tpu.memory_space<vmem>>, vector<16xf32>,
        %get3A_120 = vector.shape_cast %get3A_119 : vector<16xf32> to vector<16xf32>
        %max3A_121 = arith.maximumf %max3A_114, %get3A_120 : vector<16xf32>
        %add3A_122 = arith.addf %add3A_115, %get3A_120 : vector<16xf32>
        %add3A_123 = arith.constant 144 : i32
        %add3A_124 = arith.addi %mul3A_60, %add3A_123 : i32
        %get3A_125 = arith.index_cast %add3A_124 : i32 to index
        %get3A_126 = tpu.vector_load %arg7[%get3A_125] {strides = array<i32>} : memref<100000xf32, #tpu.memory_space<vmem>>, vector<16xf32>,
        %get3A_127 = vector.shape_cast %get3A_126 : vector<16xf32> to vector<16xf32>
        %max3A_128 = arith.maximumf %max3A_121, %get3A_127 : vector<16xf32>
        %add3A_129 = arith.addf %add3A_122, %get3A_127 : vector<16xf32>
        %add3A_130 = arith.constant 160 : i32
        %add3A_131 = arith.addi %mul3A_60, %add3A_130 : i32
        %get3A_132 = arith.index_cast %add3A_131 : i32 to index
        %get3A_133 = tpu.vector_load %arg7[%get3A_132] {strides = array<i32>} : memref<100000xf32, #tpu.memory_space<vmem>>, vector<16xf32>,
        %get3A_134 = vector.shape_cast %get3A_133 : vector<16xf32> to vector<16xf32>
        %max3A_135 = arith.maximumf %max3A_128, %get3A_134 : vector<16xf32>
        %add3A_136 = arith.addf %add3A_129, %get3A_134 : vector<16xf32>
        %add3A_137 = arith.constant 176 : i32
        %add3A_138 = arith.addi %mul3A_60, %add3A_137 : i32
        %get3A_139 = arith.index_cast %add3A_138 : i32 to index
        %get3A_140 = tpu.vector_load %arg7[%get3A_139] {strides = array<i32>} : memref<100000xf32, #tpu.memory_space<vmem>>, vector<16xf32>,
        %get3A_141 = vector.shape_cast %get3A_140 : vector<16xf32> to vector<16xf32>
        %max3A_142 = arith.maximumf %max3A_135, %get3A_141 : vector<16xf32>
        %add3A_143 = arith.addf %add3A_136, %get3A_141 : vector<16xf32>
        %add3A_144 = arith.constant 192 : i32
        %add3A_145 = arith.addi %mul3A_60, %add3A_144 : i32
        %get3A_146 = arith.index_cast %add3A_145 : i32 to index
        %get3A_147 = tpu.vector_load %arg7[%get3A_146] {strides = array<i32>} : memref<100000xf32, #tpu.memory_space<vmem>>, vector<16xf32>,
        %get3A_148 = vector.shape_cast %get3A_147 : vector<16xf32> to vector<16xf32>
        %max3A_149 = arith.maximumf %max3A_142, %get3A_148 : vector<16xf32>
        %add3A_150 = arith.addf %add3A_143, %get3A_148 : vector<16xf32>
        %add3A_151 = arith.constant 208 : i32
        %add3A_152 = arith.addi %mul3A_60, %add3A_151 : i32
        %get3A_153 = arith.index_cast %add3A_152 : i32 to index
        %get3A_154 = tpu.vector_load %arg7[%get3A_153] {strides = array<i32>} : memref<100000xf32, #tpu.memory_space<vmem>>, vector<16xf32>,
        %get3A_155 = vector.shape_cast %get3A_154 : vector<16xf32> to vector<16xf32>
        %max3A_156 = arith.maximumf %max3A_149, %get3A_155 : vector<16xf32>
        %add3A_157 = arith.addf %add3A_150, %get3A_155 : vector<16xf32>
        %add3A_158 = arith.constant 224 : i32
        %add3A_159 = arith.addi %mul3A_60, %add3A_158 : i32
        %get3A_160 = arith.index_cast %add3A_159 : i32 to index
        %get3A_161 = tpu.vector_load %arg7[%get3A_160] {strides = array<i32>} : memref<100000xf32, #tpu.memory_space<vmem>>, vector<16xf32>,
        %get3A_162 = vector.shape_cast %get3A_161 : vector<16xf32> to vector<16xf32>
        %max3A_163 = arith.maximumf %max3A_156, %get3A_162 : vector<16xf32>
        %add3A_164 = arith.addf %add3A_157, %get3A_162 : vector<16xf32>
        %add3A_165 = arith.constant 240 : i32
        %add3A_166 = arith.addi %mul3A_60, %add3A_165 : i32
        %get3A_167 = arith.index_cast %add3A_166 : i32 to index
        %get3A_168 = tpu.vector_load %arg7[%get3A_167] {strides = array<i32>} : memref<100000xf32, #tpu.memory_space<vmem>>, vector<16xf32>,
        %get3A_169 = vector.shape_cast %get3A_168 : vector<16xf32> to vector<16xf32>
        %max3A_170 = arith.maximumf %max3A_163, %get3A_169 : vector<16xf32>
        %add3A_171 = arith.addf %add3A_164, %get3A_169 : vector<16xf32>
        %add3A_172 = arith.constant 256 : i32
        %add3A_173 = arith.addi %mul3A_60, %add3A_172 : i32
        %get3A_174 = arith.index_cast %add3A_173 : i32 to index
        %get3A_175 = tpu.vector_load %arg7[%get3A_174] {strides = array<i32>} : memref<100000xf32, #tpu.memory_space<vmem>>, vector<16xf32>,
        %get3A_176 = vector.shape_cast %get3A_175 : vector<16xf32> to vector<16xf32>
        %max3A_177 = arith.maximumf %max3A_170, %get3A_176 : vector<16xf32>
        %add3A_178 = arith.addf %add3A_171, %get3A_176 : vector<16xf32>
        %add3A_179 = arith.constant 272 : i32
        %add3A_180 = arith.addi %mul3A_60, %add3A_179 : i32
        %get3A_181 = arith.index_cast %add3A_180 : i32 to index
        %get3A_182 = tpu.vector_load %arg7[%get3A_181] {strides = array<i32>} : memref<100000xf32, #tpu.memory_space<vmem>>, vector<16xf32>,
        %get3A_183 = vector.shape_cast %get3A_182 : vector<16xf32> to vector<16xf32>
        %max3A_184 = arith.maximumf %max3A_177, %get3A_183 : vector<16xf32>
        %add3A_185 = arith.addf %add3A_178, %get3A_183 : vector<16xf32>
        %add3A_186 = arith.constant 288 : i32
        %add3A_187 = arith.addi %mul3A_60, %add3A_186 : i32
        %get3A_188 = arith.index_cast %add3A_187 : i32 to index
        %get3A_189 = tpu.vector_load %arg7[%get3A_188] {strides = array<i32>} : memref<100000xf32, #tpu.memory_space<vmem>>, vector<16xf32>,
        %get3A_190 = vector.shape_cast %get3A_189 : vector<16xf32> to vector<16xf32>
        %max3A_191 = arith.maximumf %max3A_184, %get3A_190 : vector<16xf32>
        %add3A_192 = arith.addf %add3A_185, %get3A_190 : vector<16xf32>
        %add3A_193 = arith.constant 304 : i32
        %add3A_194 = arith.addi %mul3A_60, %add3A_193 : i32
        %get3A_195 = arith.index_cast %add3A_194 : i32 to index
        %get3A_196 = tpu.vector_load %arg7[%get3A_195] {strides = array<i32>} : memref<100000xf32, #tpu.memory_space<vmem>>, vector<16xf32>,
        %get3A_197 = vector.shape_cast %get3A_196 : vector<16xf32> to vector<16xf32>
        %max3A_198 = arith.maximumf %max3A_191, %get3A_197 : vector<16xf32>
        %add3A_199 = arith.addf %add3A_192, %get3A_197 : vector<16xf32>
        %add3A_200 = arith.constant 320 : i32
        %add3A_201 = arith.addi %mul3A_60, %add3A_200 : i32
        %get3A_202 = arith.index_cast %add3A_201 : i32 to index
        %get3A_203 = tpu.vector_load %arg7[%get3A_202] {strides = array<i32>} : memref<100000xf32, #tpu.memory_space<vmem>>, vector<16xf32>,
        %get3A_204 = vector.shape_cast %get3A_203 : vector<16xf32> to vector<16xf32>
        %max3A_205 = arith.maximumf %max3A_198, %get3A_204 : vector<16xf32>
        %add3A_206 = arith.addf %add3A_199, %get3A_204 : vector<16xf32>
        %add3A_207 = arith.constant 336 : i32
        %add3A_208 = arith.addi %mul3A_60, %add3A_207 : i32
        %get3A_209 = arith.index_cast %add3A_208 : i32 to index
        %get3A_210 = tpu.vector_load %arg7[%get3A_209] {strides = array<i32>} : memref<100000xf32, #tpu.memory_space<vmem>>, vector<16xf32>,
        %get3A_211 = vector.shape_cast %get3A_210 : vector<16xf32> to vector<16xf32>
        %max3A_212 = arith.maximumf %max3A_205, %get3A_211 : vector<16xf32>
        %add3A_213 = arith.addf %add3A_206, %get3A_211 : vector<16xf32>
        %add3A_214 = arith.constant 352 : i32
        %add3A_215 = arith.addi %mul3A_60, %add3A_214 : i32
        %get3A_216 = arith.index_cast %add3A_215 : i32 to index
        %get3A_217 = tpu.vector_load %arg7[%get3A_216] {strides = array<i32>} : memref<100000xf32, #tpu.memory_space<vmem>>, vector<16xf32>,
        %get3A_218 = vector.shape_cast %get3A_217 : vector<16xf32> to vector<16xf32>
        %max3A_219 = arith.maximumf %max3A_212, %get3A_218 : vector<16xf32>
        %add3A_220 = arith.addf %add3A_213, %get3A_218 : vector<16xf32>
        %add3A_221 = arith.constant 368 : i32
        %add3A_222 = arith.addi %mul3A_60, %add3A_221 : i32
        %get3A_223 = arith.index_cast %add3A_222 : i32 to index
        %get3A_224 = tpu.vector_load %arg7[%get3A_223] {strides = array<i32>} : memref<100000xf32, #tpu.memory_space<vmem>>, vector<16xf32>,
        %get3A_225 = vector.shape_cast %get3A_224 : vector<16xf32> to vector<16xf32>
        %max3A_226 = arith.maximumf %max3A_219, %get3A_225 : vector<16xf32>
        %add3A_227 = arith.addf %add3A_220, %get3A_225 : vector<16xf32>
        %add3A_228 = arith.constant 384 : i32
        %add3A_229 = arith.addi %mul3A_60, %add3A_228 : i32
        %get3A_230 = arith.index_cast %add3A_229 : i32 to index
        %get3A_231 = tpu.vector_load %arg7[%get3A_230] {strides = array<i32>} : memref<100000xf32, #tpu.memory_space<vmem>>, vector<16xf32>,
        %get3A_232 = vector.shape_cast %get3A_231 : vector<16xf32> to vector<16xf32>
        %max3A_233 = arith.maximumf %max3A_226, %get3A_232 : vector<16xf32>
        %add3A_234 = arith.addf %add3A_227, %get3A_232 : vector<16xf32>
        scf.yield %max3A_233, %add3A_234 : vector<16xf32>, vector<16xf32>
      }
      %scan3A_22 = arith.constant 250 : i32
      %broadcast_in_dim3A_23 = arith.constant 0.000000e+00 : f32
      %broadcast_in_dim3A_24 = vector.broadcast %broadcast_in_dim3A_23 : f32 to vector<16xf32>
      %scan3A_25 = arith.constant 0 : i32
      %scan3A_26 = arith.constant 250 : i32
      %scan3A_27 = arith.addi %scan3A_25, %scan3A_26 : i32
      %scan3A_28 = arith.constant 1 : i32
      %scan3A_29 = scf.for %scan3A_56 = %scan3A_25 to %scan3A_27 step %scan3A_28 iter_args(%scan3A_57 = %broadcast_in_dim3A_24) -> (vector<16xf32>)  : i32 {
        %mul3A_58 = arith.constant 400 : i32
        %mul3A_59 = arith.muli %scan3A_56, %mul3A_58 : i32
        %add3A_60 = arith.constant 0 : i32
        %add3A_61 = arith.addi %mul3A_59, %add3A_60 : i32
        %get3A_62 = arith.index_cast %add3A_61 : i32 to index
        %get3A_63 = tpu.vector_load %arg7[%get3A_62] {strides = array<i32>} : memref<100000xf32, #tpu.memory_space<vmem>>, vector<16xf32>,
        %get3A_64 = vector.shape_cast %get3A_63 : vector<16xf32> to vector<16xf32>
        %sub3A = arith.subf %get3A_64, %scan3A_21#0 : vector<16xf32>
        %exp3A = math.exp %sub3A : vector<16xf32>
        %add3A_65 = arith.addf %scan3A_57, %exp3A : vector<16xf32>
        %add3A_66 = arith.constant 16 : i32
        %add3A_67 = arith.addi %mul3A_59, %add3A_66 : i32
        %get3A_68 = arith.index_cast %add3A_67 : i32 to index
        %get3A_69 = tpu.vector_load %arg7[%get3A_68] {strides = array<i32>} : memref<100000xf32, #tpu.memory_space<vmem>>, vector<16xf32>,
        %get3A_70 = vector.shape_cast %get3A_69 : vector<16xf32> to vector<16xf32>
        %sub3A_71 = arith.subf %get3A_70, %scan3A_21#0 : vector<16xf32>
        %exp3A_72 = math.exp %sub3A_71 : vector<16xf32>
        %add3A_73 = arith.addf %add3A_65, %exp3A_72 : vector<16xf32>
        %add3A_74 = arith.constant 32 : i32
        %add3A_75 = arith.addi %mul3A_59, %add3A_74 : i32
        %get3A_76 = arith.index_cast %add3A_75 : i32 to index
        %get3A_77 = tpu.vector_load %arg7[%get3A_76] {strides = array<i32>} : memref<100000xf32, #tpu.memory_space<vmem>>, vector<16xf32>,
        %get3A_78 = vector.shape_cast %get3A_77 : vector<16xf32> to vector<16xf32>
        %sub3A_79 = arith.subf %get3A_78, %scan3A_21#0 : vector<16xf32>
        %exp3A_80 = math.exp %sub3A_79 : vector<16xf32>
        %add3A_81 = arith.addf %add3A_73, %exp3A_80 : vector<16xf32>
        %add3A_82 = arith.constant 48 : i32
        %add3A_83 = arith.addi %mul3A_59, %add3A_82 : i32
        %get3A_84 = arith.index_cast %add3A_83 : i32 to index
        %get3A_85 = tpu.vector_load %arg7[%get3A_84] {strides = array<i32>} : memref<100000xf32, #tpu.memory_space<vmem>>, vector<16xf32>,
        %get3A_86 = vector.shape_cast %get3A_85 : vector<16xf32> to vector<16xf32>
        %sub3A_87 = arith.subf %get3A_86, %scan3A_21#0 : vector<16xf32>
        %exp3A_88 = math.exp %sub3A_87 : vector<16xf32>
        %add3A_89 = arith.addf %add3A_81, %exp3A_88 : vector<16xf32>
        %add3A_90 = arith.constant 64 : i32
        %add3A_91 = arith.addi %mul3A_59, %add3A_90 : i32
        %get3A_92 = arith.index_cast %add3A_91 : i32 to index
        %get3A_93 = tpu.vector_load %arg7[%get3A_92] {strides = array<i32>} : memref<100000xf32, #tpu.memory_space<vmem>>, vector<16xf32>,
        %get3A_94 = vector.shape_cast %get3A_93 : vector<16xf32> to vector<16xf32>
        %sub3A_95 = arith.subf %get3A_94, %scan3A_21#0 : vector<16xf32>
        %exp3A_96 = math.exp %sub3A_95 : vector<16xf32>
        %add3A_97 = arith.addf %add3A_89, %exp3A_96 : vector<16xf32>
        %add3A_98 = arith.constant 80 : i32
        %add3A_99 = arith.addi %mul3A_59, %add3A_98 : i32
        %get3A_100 = arith.index_cast %add3A_99 : i32 to index
        %get3A_101 = tpu.vector_load %arg7[%get3A_100] {strides = array<i32>} : memref<100000xf32, #tpu.memory_space<vmem>>, vector<16xf32>,
        %get3A_102 = vector.shape_cast %get3A_101 : vector<16xf32> to vector<16xf32>
        %sub3A_103 = arith.subf %get3A_102, %scan3A_21#0 : vector<16xf32>
        %exp3A_104 = math.exp %sub3A_103 : vector<16xf32>
        %add3A_105 = arith.addf %add3A_97, %exp3A_104 : vector<16xf32>
        %add3A_106 = arith.constant 96 : i32
        %add3A_107 = arith.addi %mul3A_59, %add3A_106 : i32
        %get3A_108 = arith.index_cast %add3A_107 : i32 to index
        %get3A_109 = tpu.vector_load %arg7[%get3A_108] {strides = array<i32>} : memref<100000xf32, #tpu.memory_space<vmem>>, vector<16xf32>,
        %get3A_110 = vector.shape_cast %get3A_109 : vector<16xf32> to vector<16xf32>
        %sub3A_111 = arith.subf %get3A_110, %scan3A_21#0 : vector<16xf32>
        %exp3A_112 = math.exp %sub3A_111 : vector<16xf32>
        %add3A_113 = arith.addf %add3A_105, %exp3A_112 : vector<16xf32>
        %add3A_114 = arith.constant 112 : i32
        %add3A_115 = arith.addi %mul3A_59, %add3A_114 : i32
        %get3A_116 = arith.index_cast %add3A_115 : i32 to index
        %get3A_117 = tpu.vector_load %arg7[%get3A_116] {strides = array<i32>} : memref<100000xf32, #tpu.memory_space<vmem>>, vector<16xf32>,
        %get3A_118 = vector.shape_cast %get3A_117 : vector<16xf32> to vector<16xf32>
        %sub3A_119 = arith.subf %get3A_118, %scan3A_21#0 : vector<16xf32>
        %exp3A_120 = math.exp %sub3A_119 : vector<16xf32>
        %add3A_121 = arith.addf %add3A_113, %exp3A_120 : vector<16xf32>
        %add3A_122 = arith.constant 128 : i32
        %add3A_123 = arith.addi %mul3A_59, %add3A_122 : i32
        %get3A_124 = arith.index_cast %add3A_123 : i32 to index
        %get3A_125 = tpu.vector_load %arg7[%get3A_124] {strides = array<i32>} : memref<100000xf32, #tpu.memory_space<vmem>>, vector<16xf32>,
        %get3A_126 = vector.shape_cast %get3A_125 : vector<16xf32> to vector<16xf32>
        %sub3A_127 = arith.subf %get3A_126, %scan3A_21#0 : vector<16xf32>
        %exp3A_128 = math.exp %sub3A_127 : vector<16xf32>
        %add3A_129 = arith.addf %add3A_121, %exp3A_128 : vector<16xf32>
        %add3A_130 = arith.constant 144 : i32
        %add3A_131 = arith.addi %mul3A_59, %add3A_130 : i32
        %get3A_132 = arith.index_cast %add3A_131 : i32 to index
        %get3A_133 = tpu.vector_load %arg7[%get3A_132] {strides = array<i32>} : memref<100000xf32, #tpu.memory_space<vmem>>, vector<16xf32>,
        %get3A_134 = vector.shape_cast %get3A_133 : vector<16xf32> to vector<16xf32>
        %sub3A_135 = arith.subf %get3A_134, %scan3A_21#0 : vector<16xf32>
        %exp3A_136 = math.exp %sub3A_135 : vector<16xf32>
        %add3A_137 = arith.addf %add3A_129, %exp3A_136 : vector<16xf32>
        %add3A_138 = arith.constant 160 : i32
        %add3A_139 = arith.addi %mul3A_59, %add3A_138 : i32
        %get3A_140 = arith.index_cast %add3A_139 : i32 to index
        %get3A_141 = tpu.vector_load %arg7[%get3A_140] {strides = array<i32>} : memref<100000xf32, #tpu.memory_space<vmem>>, vector<16xf32>,
        %get3A_142 = vector.shape_cast %get3A_141 : vector<16xf32> to vector<16xf32>
        %sub3A_143 = arith.subf %get3A_142, %scan3A_21#0 : vector<16xf32>
        %exp3A_144 = math.exp %sub3A_143 : vector<16xf32>
        %add3A_145 = arith.addf %add3A_137, %exp3A_144 : vector<16xf32>
        %add3A_146 = arith.constant 176 : i32
        %add3A_147 = arith.addi %mul3A_59, %add3A_146 : i32
        %get3A_148 = arith.index_cast %add3A_147 : i32 to index
        %get3A_149 = tpu.vector_load %arg7[%get3A_148] {strides = array<i32>} : memref<100000xf32, #tpu.memory_space<vmem>>, vector<16xf32>,
        %get3A_150 = vector.shape_cast %get3A_149 : vector<16xf32> to vector<16xf32>
        %sub3A_151 = arith.subf %get3A_150, %scan3A_21#0 : vector<16xf32>
        %exp3A_152 = math.exp %sub3A_151 : vector<16xf32>
        %add3A_153 = arith.addf %add3A_145, %exp3A_152 : vector<16xf32>
        %add3A_154 = arith.constant 192 : i32
        %add3A_155 = arith.addi %mul3A_59, %add3A_154 : i32
        %get3A_156 = arith.index_cast %add3A_155 : i32 to index
        %get3A_157 = tpu.vector_load %arg7[%get3A_156] {strides = array<i32>} : memref<100000xf32, #tpu.memory_space<vmem>>, vector<16xf32>,
        %get3A_158 = vector.shape_cast %get3A_157 : vector<16xf32> to vector<16xf32>
        %sub3A_159 = arith.subf %get3A_158, %scan3A_21#0 : vector<16xf32>
        %exp3A_160 = math.exp %sub3A_159 : vector<16xf32>
        %add3A_161 = arith.addf %add3A_153, %exp3A_160 : vector<16xf32>
        %add3A_162 = arith.constant 208 : i32
        %add3A_163 = arith.addi %mul3A_59, %add3A_162 : i32
        %get3A_164 = arith.index_cast %add3A_163 : i32 to index
        %get3A_165 = tpu.vector_load %arg7[%get3A_164] {strides = array<i32>} : memref<100000xf32, #tpu.memory_space<vmem>>, vector<16xf32>,
        %get3A_166 = vector.shape_cast %get3A_165 : vector<16xf32> to vector<16xf32>
        %sub3A_167 = arith.subf %get3A_166, %scan3A_21#0 : vector<16xf32>
        %exp3A_168 = math.exp %sub3A_167 : vector<16xf32>
        %add3A_169 = arith.addf %add3A_161, %exp3A_168 : vector<16xf32>
        %add3A_170 = arith.constant 224 : i32
        %add3A_171 = arith.addi %mul3A_59, %add3A_170 : i32
        %get3A_172 = arith.index_cast %add3A_171 : i32 to index
        %get3A_173 = tpu.vector_load %arg7[%get3A_172] {strides = array<i32>} : memref<100000xf32, #tpu.memory_space<vmem>>, vector<16xf32>,
        %get3A_174 = vector.shape_cast %get3A_173 : vector<16xf32> to vector<16xf32>
        %sub3A_175 = arith.subf %get3A_174, %scan3A_21#0 : vector<16xf32>
        %exp3A_176 = math.exp %sub3A_175 : vector<16xf32>
        %add3A_177 = arith.addf %add3A_169, %exp3A_176 : vector<16xf32>
        %add3A_178 = arith.constant 240 : i32
        %add3A_179 = arith.addi %mul3A_59, %add3A_178 : i32
        %get3A_180 = arith.index_cast %add3A_179 : i32 to index
        %get3A_181 = tpu.vector_load %arg7[%get3A_180] {strides = array<i32>} : memref<100000xf32, #tpu.memory_space<vmem>>, vector<16xf32>,
        %get3A_182 = vector.shape_cast %get3A_181 : vector<16xf32> to vector<16xf32>
        %sub3A_183 = arith.subf %get3A_182, %scan3A_21#0 : vector<16xf32>
        %exp3A_184 = math.exp %sub3A_183 : vector<16xf32>
        %add3A_185 = arith.addf %add3A_177, %exp3A_184 : vector<16xf32>
        %add3A_186 = arith.constant 256 : i32
        %add3A_187 = arith.addi %mul3A_59, %add3A_186 : i32
        %get3A_188 = arith.index_cast %add3A_187 : i32 to index
        %get3A_189 = tpu.vector_load %arg7[%get3A_188] {strides = array<i32>} : memref<100000xf32, #tpu.memory_space<vmem>>, vector<16xf32>,
        %get3A_190 = vector.shape_cast %get3A_189 : vector<16xf32> to vector<16xf32>
        %sub3A_191 = arith.subf %get3A_190, %scan3A_21#0 : vector<16xf32>
        %exp3A_192 = math.exp %sub3A_191 : vector<16xf32>
        %add3A_193 = arith.addf %add3A_185, %exp3A_192 : vector<16xf32>
        %add3A_194 = arith.constant 272 : i32
        %add3A_195 = arith.addi %mul3A_59, %add3A_194 : i32
        %get3A_196 = arith.index_cast %add3A_195 : i32 to index
        %get3A_197 = tpu.vector_load %arg7[%get3A_196] {strides = array<i32>} : memref<100000xf32, #tpu.memory_space<vmem>>, vector<16xf32>,
        %get3A_198 = vector.shape_cast %get3A_197 : vector<16xf32> to vector<16xf32>
        %sub3A_199 = arith.subf %get3A_198, %scan3A_21#0 : vector<16xf32>
        %exp3A_200 = math.exp %sub3A_199 : vector<16xf32>
        %add3A_201 = arith.addf %add3A_193, %exp3A_200 : vector<16xf32>
        %add3A_202 = arith.constant 288 : i32
        %add3A_203 = arith.addi %mul3A_59, %add3A_202 : i32
        %get3A_204 = arith.index_cast %add3A_203 : i32 to index
        %get3A_205 = tpu.vector_load %arg7[%get3A_204] {strides = array<i32>} : memref<100000xf32, #tpu.memory_space<vmem>>, vector<16xf32>,
        %get3A_206 = vector.shape_cast %get3A_205 : vector<16xf32> to vector<16xf32>
        %sub3A_207 = arith.subf %get3A_206, %scan3A_21#0 : vector<16xf32>
        %exp3A_208 = math.exp %sub3A_207 : vector<16xf32>
        %add3A_209 = arith.addf %add3A_201, %exp3A_208 : vector<16xf32>
        %add3A_210 = arith.constant 304 : i32
        %add3A_211 = arith.addi %mul3A_59, %add3A_210 : i32
        %get3A_212 = arith.index_cast %add3A_211 : i32 to index
        %get3A_213 = tpu.vector_load %arg7[%get3A_212] {strides = array<i32>} : memref<100000xf32, #tpu.memory_space<vmem>>, vector<16xf32>,
        %get3A_214 = vector.shape_cast %get3A_213 : vector<16xf32> to vector<16xf32>
        %sub3A_215 = arith.subf %get3A_214, %scan3A_21#0 : vector<16xf32>
        %exp3A_216 = math.exp %sub3A_215 : vector<16xf32>
        %add3A_217 = arith.addf %add3A_209, %exp3A_216 : vector<16xf32>
        %add3A_218 = arith.constant 320 : i32
        %add3A_219 = arith.addi %mul3A_59, %add3A_218 : i32
        %get3A_220 = arith.index_cast %add3A_219 : i32 to index
        %get3A_221 = tpu.vector_load %arg7[%get3A_220] {strides = array<i32>} : memref<100000xf32, #tpu.memory_space<vmem>>, vector<16xf32>,
        %get3A_222 = vector.shape_cast %get3A_221 : vector<16xf32> to vector<16xf32>
        %sub3A_223 = arith.subf %get3A_222, %scan3A_21#0 : vector<16xf32>
        %exp3A_224 = math.exp %sub3A_223 : vector<16xf32>
        %add3A_225 = arith.addf %add3A_217, %exp3A_224 : vector<16xf32>
        %add3A_226 = arith.constant 336 : i32
        %add3A_227 = arith.addi %mul3A_59, %add3A_226 : i32
        %get3A_228 = arith.index_cast %add3A_227 : i32 to index
        %get3A_229 = tpu.vector_load %arg7[%get3A_228] {strides = array<i32>} : memref<100000xf32, #tpu.memory_space<vmem>>, vector<16xf32>,
        %get3A_230 = vector.shape_cast %get3A_229 : vector<16xf32> to vector<16xf32>
        %sub3A_231 = arith.subf %get3A_230, %scan3A_21#0 : vector<16xf32>
        %exp3A_232 = math.exp %sub3A_231 : vector<16xf32>
        %add3A_233 = arith.addf %add3A_225, %exp3A_232 : vector<16xf32>
        %add3A_234 = arith.constant 352 : i32
        %add3A_235 = arith.addi %mul3A_59, %add3A_234 : i32
        %get3A_236 = arith.index_cast %add3A_235 : i32 to index
        %get3A_237 = tpu.vector_load %arg7[%get3A_236] {strides = array<i32>} : memref<100000xf32, #tpu.memory_space<vmem>>, vector<16xf32>,
        %get3A_238 = vector.shape_cast %get3A_237 : vector<16xf32> to vector<16xf32>
        %sub3A_239 = arith.subf %get3A_238, %scan3A_21#0 : vector<16xf32>
        %exp3A_240 = math.exp %sub3A_239 : vector<16xf32>
        %add3A_241 = arith.addf %add3A_233, %exp3A_240 : vector<16xf32>
        %add3A_242 = arith.constant 368 : i32
        %add3A_243 = arith.addi %mul3A_59, %add3A_242 : i32
        %get3A_244 = arith.index_cast %add3A_243 : i32 to index
        %get3A_245 = tpu.vector_load %arg7[%get3A_244] {strides = array<i32>} : memref<100000xf32, #tpu.memory_space<vmem>>, vector<16xf32>,
        %get3A_246 = vector.shape_cast %get3A_245 : vector<16xf32> to vector<16xf32>
        %sub3A_247 = arith.subf %get3A_246, %scan3A_21#0 : vector<16xf32>
        %exp3A_248 = math.exp %sub3A_247 : vector<16xf32>
        %add3A_249 = arith.addf %add3A_241, %exp3A_248 : vector<16xf32>
        %add3A_250 = arith.constant 384 : i32
        %add3A_251 = arith.addi %mul3A_59, %add3A_250 : i32
        %get3A_252 = arith.index_cast %add3A_251 : i32 to index
        %get3A_253 = tpu.vector_load %arg7[%get3A_252] {strides = array<i32>} : memref<100000xf32, #tpu.memory_space<vmem>>, vector<16xf32>,
        %get3A_254 = vector.shape_cast %get3A_253 : vector<16xf32> to vector<16xf32>
        %sub3A_255 = arith.subf %get3A_254, %scan3A_21#0 : vector<16xf32>
        %exp3A_256 = math.exp %sub3A_255 : vector<16xf32>
        %add3A_257 = arith.addf %add3A_249, %exp3A_256 : vector<16xf32>
        scf.yield %add3A_257 : vector<16xf32>
      }
      %scan3A_30 = arith.constant 250 : i32
      %mul3A_31 = arith.constant 16 : i32
      %mul3A_32 = arith.muli %scan3A_10, %mul3A_31 : i32
      %swap3A = arith.index_cast %mul3A_32 : i32 to index
      %swap3A_33 = tpu.vector_load %arg8[%swap3A] {strides = array<i32>} : memref<128xf32, #tpu.memory_space<vmem>>, vector<16xf32>,
      %swap3A_34 = vector.shape_cast %swap3A_33 : vector<16xf32> to vector<16xf32>
      %swap3A_35 = vector.shape_cast %scan3A_21#0 : vector<16xf32> to vector<16xf32>
      tpu.vector_store %arg8[%swap3A], %swap3A_35 {strides = array<i32>} : memref<128xf32, #tpu.memory_space<vmem>>, vector<16xf32>,
      %mul3A_36 = arith.constant 16 : i32
      %mul3A_37 = arith.muli %scan3A_10, %mul3A_36 : i32
      %swap3A_38 = arith.index_cast %mul3A_37 : i32 to index
      %swap3A_39 = tpu.vector_load %arg9[%swap3A_38] {strides = array<i32>} : memref<128xf32, #tpu.memory_space<vmem>>, vector<16xf32>,
      %swap3A_40 = vector.shape_cast %swap3A_39 : vector<16xf32> to vector<16xf32>
      %swap3A_41 = vector.shape_cast %scan3A_21#1 : vector<16xf32> to vector<16xf32>
      tpu.vector_store %arg9[%swap3A_38], %swap3A_41 {strides = array<i32>} : memref<128xf32, #tpu.memory_space<vmem>>, vector<16xf32>,
      %mul3A_42 = arith.constant 16 : i32
      %mul3A_43 = arith.muli %scan3A_10, %mul3A_42 : i32
      %swap3A_44 = arith.index_cast %mul3A_43 : i32 to index
      %swap3A_45 = tpu.vector_load %arg10[%swap3A_44] {strides = array<i32>} : memref<128xf32, #tpu.memory_space<vmem>>, vector<16xf32>,
      %swap3A_46 = vector.shape_cast %swap3A_45 : vector<16xf32> to vector<16xf32>
      %swap3A_47 = vector.shape_cast %scan3A_29 : vector<16xf32> to vector<16xf32>
      tpu.vector_store %arg10[%swap3A_44], %swap3A_47 {strides = array<i32>} : memref<128xf32, #tpu.memory_space<vmem>>, vector<16xf32>,
      %get3A = arith.constant 0 : index
      %get3A_48 = tpu.vector_load %arg7[%get3A] {strides = array<i32>} : memref<100000xf32, #tpu.memory_space<vmem>>, vector<16xf32>,
      %get3A_49 = vector.shape_cast %get3A_48 : vector<16xf32> to vector<16xf32>
      %mul3A_50 = arith.constant 16 : i32
      %mul3A_51 = arith.muli %scan3A_10, %mul3A_50 : i32
      %swap3A_52 = arith.index_cast %mul3A_51 : i32 to index
      %swap3A_53 = tpu.vector_load %arg11[%swap3A_52] {strides = array<i32>} : memref<128xf32, #tpu.memory_space<vmem>>, vector<16xf32>,
      %swap3A_54 = vector.shape_cast %swap3A_53 : vector<16xf32> to vector<16xf32>
      %swap3A_55 = vector.shape_cast %get3A_49 : vector<16xf32> to vector<16xf32>
      tpu.vector_store %arg11[%swap3A_52], %swap3A_55 {strides = array<i32>} : memref<128xf32, #tpu.memory_space<vmem>>, vector<16xf32>,
    }
    %scan3A_7 = arith.constant 8 : i32
    %mul3A_8 = arith.constant 16 : i32
    %mul3A_9 = arith.muli %mul3A_2, %mul3A_8 : i32
    "tpu.region"() ({
      %run_scoped3A = tpu.sem_alloc : memref<!tpu.dma_semaphore, #tpu.memory_space<semaphore_mem>>
      %dma_start3A = tpu.memref_slice %arg3[%mul3A_9] : memref<4096xf32, #tpu.memory_space<hbm>> -> memref<128xf32, #tpu.memory_space<hbm>>
      %dma_start3A_10 = tpu.memref_slice %arg3[%mul3A_9] : memref<4096xf32, #tpu.memory_space<hbm>> -> memref<128xf32, #tpu.memory_space<hbm>>
      tpu.enqueue_dma source(%arg8 : memref<128xf32, #tpu.memory_space<vmem>>) target(%dma_start3A_10 : memref<128xf32, #tpu.memory_space<hbm>>) target_semaphore(%run_scoped3A : memref<!tpu.dma_semaphore, #tpu.memory_space<semaphore_mem>>)
      %dma_wait3A = tpu.memref_slice %arg3[%mul3A_9] : memref<4096xf32, #tpu.memory_space<hbm>> -> memref<128xf32, #tpu.memory_space<hbm>>
      %dma_wait3A_11 = tpu.memref_slice %arg3[%mul3A_9] : memref<4096xf32, #tpu.memory_space<hbm>> -> memref<128xf32, #tpu.memory_space<hbm>>
      tpu.wait_dma2 semaphore(%run_scoped3A : memref<!tpu.dma_semaphore, #tpu.memory_space<semaphore_mem>>) src(%arg8 : memref<128xf32, #tpu.memory_space<vmem>>) dst(%dma_wait3A_11 : memref<128xf32, #tpu.memory_space<hbm>>)
      tpu.yield
    }) : () -> ()
    "tpu.region"() ({
      %run_scoped3A = tpu.sem_alloc : memref<!tpu.dma_semaphore, #tpu.memory_space<semaphore_mem>>
      %dma_start3A = tpu.memref_slice %arg4[%mul3A_9] : memref<4096xf32, #tpu.memory_space<hbm>> -> memref<128xf32, #tpu.memory_space<hbm>>
      %dma_start3A_10 = tpu.memref_slice %arg4[%mul3A_9] : memref<4096xf32, #tpu.memory_space<hbm>> -> memref<128xf32, #tpu.memory_space<hbm>>
      tpu.enqueue_dma source(%arg9 : memref<128xf32, #tpu.memory_space<vmem>>) target(%dma_start3A_10 : memref<128xf32, #tpu.memory_space<hbm>>) target_semaphore(%run_scoped3A : memref<!tpu.dma_semaphore, #tpu.memory_space<semaphore_mem>>)
      %dma_wait3A = tpu.memref_slice %arg4[%mul3A_9] : memref<4096xf32, #tpu.memory_space<hbm>> -> memref<128xf32, #tpu.memory_space<hbm>>
      %dma_wait3A_11 = tpu.memref_slice %arg4[%mul3A_9] : memref<4096xf32, #tpu.memory_space<hbm>> -> memref<128xf32, #tpu.memory_space<hbm>>
      tpu.wait_dma2 semaphore(%run_scoped3A : memref<!tpu.dma_semaphore, #tpu.memory_space<semaphore_mem>>) src(%arg9 : memref<128xf32, #tpu.memory_space<vmem>>) dst(%dma_wait3A_11 : memref<128xf32, #tpu.memory_space<hbm>>)
      tpu.yield
    }) : () -> ()
    "tpu.region"() ({
      %run_scoped3A = tpu.sem_alloc : memref<!tpu.dma_semaphore, #tpu.memory_space<semaphore_mem>>
      %dma_start3A = tpu.memref_slice %arg5[%mul3A_9] : memref<4096xf32, #tpu.memory_space<hbm>> -> memref<128xf32, #tpu.memory_space<hbm>>
      %dma_start3A_10 = tpu.memref_slice %arg5[%mul3A_9] : memref<4096xf32, #tpu.memory_space<hbm>> -> memref<128xf32, #tpu.memory_space<hbm>>
      tpu.enqueue_dma source(%arg10 : memref<128xf32, #tpu.memory_space<vmem>>) target(%dma_start3A_10 : memref<128xf32, #tpu.memory_space<hbm>>) target_semaphore(%run_scoped3A : memref<!tpu.dma_semaphore, #tpu.memory_space<semaphore_mem>>)
      %dma_wait3A = tpu.memref_slice %arg5[%mul3A_9] : memref<4096xf32, #tpu.memory_space<hbm>> -> memref<128xf32, #tpu.memory_space<hbm>>
      %dma_wait3A_11 = tpu.memref_slice %arg5[%mul3A_9] : memref<4096xf32, #tpu.memory_space<hbm>> -> memref<128xf32, #tpu.memory_space<hbm>>
      tpu.wait_dma2 semaphore(%run_scoped3A : memref<!tpu.dma_semaphore, #tpu.memory_space<semaphore_mem>>) src(%arg10 : memref<128xf32, #tpu.memory_space<vmem>>) dst(%dma_wait3A_11 : memref<128xf32, #tpu.memory_space<hbm>>)
      tpu.yield
    }) : () -> ()
    "tpu.region"() ({
      %run_scoped3A = tpu.sem_alloc : memref<!tpu.dma_semaphore, #tpu.memory_space<semaphore_mem>>
      %dma_start3A = tpu.memref_slice %arg6[%mul3A_9] : memref<4096xf32, #tpu.memory_space<hbm>> -> memref<128xf32, #tpu.memory_space<hbm>>
      %dma_start3A_10 = tpu.memref_slice %arg6[%mul3A_9] : memref<4096xf32, #tpu.memory_space<hbm>> -> memref<128xf32, #tpu.memory_space<hbm>>
      tpu.enqueue_dma source(%arg11 : memref<128xf32, #tpu.memory_space<vmem>>) target(%dma_start3A_10 : memref<128xf32, #tpu.memory_space<hbm>>) target_semaphore(%run_scoped3A : memref<!tpu.dma_semaphore, #tpu.memory_space<semaphore_mem>>)
      %dma_wait3A = tpu.memref_slice %arg6[%mul3A_9] : memref<4096xf32, #tpu.memory_space<hbm>> -> memref<128xf32, #tpu.memory_space<hbm>>
      %dma_wait3A_11 = tpu.memref_slice %arg6[%mul3A_9] : memref<4096xf32, #tpu.memory_space<hbm>> -> memref<128xf32, #tpu.memory_space<hbm>>
      tpu.wait_dma2 semaphore(%run_scoped3A : memref<!tpu.dma_semaphore, #tpu.memory_space<semaphore_mem>>) src(%arg11 : memref<128xf32, #tpu.memory_space<vmem>>) dst(%dma_wait3A_11 : memref<128xf32, #tpu.memory_space<hbm>>)
      tpu.yield
    }) : () -> ()
    return
  }
}

module attributes {stable_mosaic.version = 14 : i64} {
  func.func @_tc_kernel(%arg0: i32, %arg1: memref<1024xi32, #tpu.memory_space<smem>>, %arg2: memref<32x100000xf32, #tpu.memory_space<vmem>>, %arg3: memref<1024x100000xf32, #tpu.memory_space<hbm>>, %arg4: memref<32x1xi32, #tpu.memory_space<vmem>>, %arg5: memref<1x1x2xf32, #tpu.memory_space<vmem>>, %arg6: memref<256x128xf32, #tpu.memory_space<vmem>>, %arg7: memref<32x128xf32, #tpu.memory_space<vmem>>, %arg8: memref<256x128xf32, #tpu.memory_space<vmem>>, %arg9: memref<!tpu.dma_semaphore, #tpu.memory_space<semaphore_mem>>) attributes {dimension_semantics = [#tpu.dimension_semantics<arbitrary>], iteration_bounds = array<i64: 24>, scalar_prefetch = 1 : i64, scratch_operands = 3 : i64, tpu.core_type = #tpu.core_type<tc>, window_params = [{transform_indices = @transform_0, window_bounds = array<i64: 32, 100000>}, {}, {transform_indices = @transform_2, window_bounds = array<i64: 32, 1>}, {transform_indices = @transform_3, window_bounds = array<i64: 1, 1, 2>}, {pipeline_mode = #tpu.pipeline_mode<synchronous>, transform_indices = @transform_4, window_bounds = array<i64: 256, 128>}]} {
    %mul3A = arith.constant 32 : i32
    %mul3A_0 = arith.muli %arg0, %mul3A : i32
    %scan3A = arith.constant 0 : i32
    %scan3A_1 = arith.constant 32 : i32
    %scan3A_2 = arith.addi %scan3A, %scan3A_1 : i32
    %scan3A_3 = arith.constant 1 : i32
    scf.for %scan3A_139 = %scan3A to %scan3A_2 step %scan3A_3  : i32 {
      %add3A_140 = arith.addi %mul3A_0, %scan3A_139 : i32
      %get3A_141 = arith.index_cast %add3A_140 : i32 to index
      %get3A_142 = memref.load %arg1[%get3A_141] : memref<1024xi32, #tpu.memory_space<smem>>
      %jit3A_143 = arith.constant 128 : i32
      %div3A_144 = arith.divsi %get3A_142, %jit3A_143 : i32
      %sign3A_145 = arith.constant 0 : i32
      %sign3A_146 = arith.cmpi sgt, %get3A_142, %sign3A_145 : i32
      %sign3A_147 = arith.extui %sign3A_146 : i1 to i32
      %sign3A_148 = arith.constant 0 : i32
      %sign3A_149 = arith.cmpi slt, %get3A_142, %sign3A_148 : i32
      %sign3A_150 = arith.extui %sign3A_149 : i1 to i32
      %sign3A_151 = arith.subi %sign3A_147, %sign3A_150 : i32
      %sign3A_152 = arith.constant 0 : i32
      %sign3A_153 = arith.cmpi sgt, %jit3A_143, %sign3A_152 : i32
      %sign3A_154 = arith.extui %sign3A_153 : i1 to i32
      %sign3A_155 = arith.constant 0 : i32
      %sign3A_156 = arith.cmpi slt, %jit3A_143, %sign3A_155 : i32
      %sign3A_157 = arith.extui %sign3A_156 : i1 to i32
      %sign3A_158 = arith.subi %sign3A_154, %sign3A_157 : i32
      %ne3A_159 = arith.cmpi ne, %sign3A_151, %sign3A_158 : i32
      %rem3A_160 = arith.remsi %get3A_142, %jit3A_143 : i32
      %ne3A_161 = arith.constant 0 : i32
      %ne3A_162 = arith.cmpi ne, %rem3A_160, %ne3A_161 : i32
      %and3A_163 = arith.andi %ne3A_159, %ne3A_162 : i1
      %sub3A_164 = arith.constant 1 : i32
      %sub3A_165 = arith.subi %div3A_144, %sub3A_164 : i32
      %select_n3A_166 = arith.select %and3A_163, %sub3A_165, %div3A_144 : i32
      %mul3A_167 = arith.constant 128 : i32
      %mul3A_168 = arith.muli %select_n3A_166, %mul3A_167 : i32
      %min3A_169 = arith.constant 99840 : i32
      %min3A_170 = arith.minsi %mul3A_168, %min3A_169 : i32
      %dma_start3A = arith.constant 0 : i32
      %dma_start3A_171 = tpu.memref_slice %arg7[%scan3A_139, %dma_start3A] : memref<32x128xf32, #tpu.memory_space<vmem>> -> memref<1x128xf32, #tpu.memory_space<vmem>>
      %dma_start3A_172 = tpu.memref_squeeze %dma_start3A_171 : memref<1x128xf32, #tpu.memory_space<vmem>> -> memref<128xf32, #tpu.memory_space<vmem>>
      %dma_start3A_173 = tpu.memref_slice %arg3[%add3A_140, %min3A_170] : memref<1024x100000xf32, #tpu.memory_space<hbm>> -> memref<1x128xf32, #tpu.memory_space<hbm>>
      %dma_start3A_174 = tpu.memref_squeeze %dma_start3A_173 : memref<1x128xf32, #tpu.memory_space<hbm>> -> memref<128xf32, #tpu.memory_space<hbm>>
      tpu.enqueue_dma source(%dma_start3A_174 : memref<128xf32, #tpu.memory_space<hbm>>) target(%dma_start3A_172 : memref<128xf32, #tpu.memory_space<vmem>>) target_semaphore(%arg9 : memref<!tpu.dma_semaphore, #tpu.memory_space<semaphore_mem>>)
    }
    %scan3A_4 = arith.constant 32 : i32
    %eq3A = arith.constant 0 : i32
    %eq3A_5 = arith.cmpi eq, %arg0, %eq3A : i32
    %convert_element_type3A = arith.extui %eq3A_5 : i1 to i32
    %cond3A = arith.constant 0 : i32
    %cond3A_6 = arith.cmpi ne, %convert_element_type3A, %cond3A : i32
    scf.if %cond3A_6 {
      %scan3A_139 = arith.constant 0 : i32
      %scan3A_140 = arith.constant 256 : i32
      %scan3A_141 = arith.addi %scan3A_139, %scan3A_140 : i32
      %scan3A_142 = arith.constant 1 : i32
      scf.for %scan3A_144 = %scan3A_139 to %scan3A_141 step %scan3A_142  : i32 {
        %add3A_145 = arith.constant 768 : i32
        %add3A_146 = arith.addi %add3A_145, %scan3A_144 : i32
        %get3A_147 = arith.index_cast %add3A_146 : i32 to index
        %get3A_148 = memref.load %arg1[%get3A_147] : memref<1024xi32, #tpu.memory_space<smem>>
        %jit3A_149 = arith.constant 128 : i32
        %div3A_150 = arith.divsi %get3A_148, %jit3A_149 : i32
        %sign3A_151 = arith.constant 0 : i32
        %sign3A_152 = arith.cmpi sgt, %get3A_148, %sign3A_151 : i32
        %sign3A_153 = arith.extui %sign3A_152 : i1 to i32
        %sign3A_154 = arith.constant 0 : i32
        %sign3A_155 = arith.cmpi slt, %get3A_148, %sign3A_154 : i32
        %sign3A_156 = arith.extui %sign3A_155 : i1 to i32
        %sign3A_157 = arith.subi %sign3A_153, %sign3A_156 : i32
        %sign3A_158 = arith.constant 0 : i32
        %sign3A_159 = arith.cmpi sgt, %jit3A_149, %sign3A_158 : i32
        %sign3A_160 = arith.extui %sign3A_159 : i1 to i32
        %sign3A_161 = arith.constant 0 : i32
        %sign3A_162 = arith.cmpi slt, %jit3A_149, %sign3A_161 : i32
        %sign3A_163 = arith.extui %sign3A_162 : i1 to i32
        %sign3A_164 = arith.subi %sign3A_160, %sign3A_163 : i32
        %ne3A_165 = arith.cmpi ne, %sign3A_157, %sign3A_164 : i32
        %rem3A_166 = arith.remsi %get3A_148, %jit3A_149 : i32
        %ne3A_167 = arith.constant 0 : i32
        %ne3A_168 = arith.cmpi ne, %rem3A_166, %ne3A_167 : i32
        %and3A_169 = arith.andi %ne3A_165, %ne3A_168 : i1
        %sub3A_170 = arith.constant 1 : i32
        %sub3A_171 = arith.subi %div3A_150, %sub3A_170 : i32
        %select_n3A_172 = arith.select %and3A_169, %sub3A_171, %div3A_150 : i32
        %mul3A_173 = arith.constant 128 : i32
        %mul3A_174 = arith.muli %select_n3A_172, %mul3A_173 : i32
        %min3A_175 = arith.constant 99840 : i32
        %min3A_176 = arith.minsi %mul3A_174, %min3A_175 : i32
        %dma_start3A = arith.constant 0 : i32
        %dma_start3A_177 = tpu.memref_slice %arg8[%scan3A_144, %dma_start3A] : memref<256x128xf32, #tpu.memory_space<vmem>> -> memref<1x128xf32, #tpu.memory_space<vmem>>
        %dma_start3A_178 = tpu.memref_squeeze %dma_start3A_177 : memref<1x128xf32, #tpu.memory_space<vmem>> -> memref<128xf32, #tpu.memory_space<vmem>>
        %dma_start3A_179 = tpu.memref_slice %arg3[%add3A_146, %min3A_176] : memref<1024x100000xf32, #tpu.memory_space<hbm>> -> memref<1x128xf32, #tpu.memory_space<hbm>>
        %dma_start3A_180 = tpu.memref_squeeze %dma_start3A_179 : memref<1x128xf32, #tpu.memory_space<hbm>> -> memref<128xf32, #tpu.memory_space<hbm>>
        tpu.enqueue_dma source(%dma_start3A_180 : memref<128xf32, #tpu.memory_space<hbm>>) target(%dma_start3A_178 : memref<128xf32, #tpu.memory_space<vmem>>) target_semaphore(%arg9 : memref<!tpu.dma_semaphore, #tpu.memory_space<semaphore_mem>>)
      }
      %scan3A_143 = arith.constant 256 : i32
    } else {
    }
    %get3A = arith.constant 0 : index
    %get3A_7 = arith.constant 0 : index
    %get3A_8 = vector.load %arg2[%get3A, %get3A_7] : memref<32x100000xf32, #tpu.memory_space<vmem>>, vector<32x100000xf32>
    %slice3A = vector.extract_strided_slice %get3A_8 {offsets = [0, 0], sizes = [32, 99968], strides = [1, 1]} : vector<32x100000xf32> to vector<32x99968xf32>
    %slice3A_9 = vector.extract_strided_slice %get3A_8 {offsets = [0, 99968], sizes = [32, 32], strides = [1, 1]} : vector<32x100000xf32> to vector<32x32xf32>
    %reduce_max3A = arith.constant dense<0xFF800000> : vector<32xf32>
    %reduce_max3A_10 = vector.multi_reduction <maximumf>, %slice3A, %reduce_max3A [1] : vector<32x99968xf32> to vector<32xf32>
    %broadcast_in_dim3A = vector.shape_cast %reduce_max3A_10 : vector<32xf32> to vector<32x1xf32>
    %reduce_max3A_11 = arith.constant dense<0xFF800000> : vector<32xf32>
    %reduce_max3A_12 = vector.multi_reduction <maximumf>, %slice3A_9, %reduce_max3A_11 [1] : vector<32x32xf32> to vector<32xf32>
    %broadcast_in_dim3A_13 = vector.shape_cast %reduce_max3A_12 : vector<32xf32> to vector<32x1xf32>
    %max3A = arith.maximumf %broadcast_in_dim3A, %broadcast_in_dim3A_13 : vector<32x1xf32>
    %reduce_sum3A = arith.constant dense<0.000000e+00> : vector<32xf32>
    %reduce_sum3A_14 = vector.multi_reduction <add>, %slice3A, %reduce_sum3A [1] : vector<32x99968xf32> to vector<32xf32>
    %broadcast_in_dim3A_15 = vector.shape_cast %reduce_sum3A_14 : vector<32xf32> to vector<32x1xf32>
    %reduce_sum3A_16 = arith.constant dense<0.000000e+00> : vector<32xf32>
    %reduce_sum3A_17 = vector.multi_reduction <add>, %slice3A_9, %reduce_sum3A_16 [1] : vector<32x32xf32> to vector<32xf32>
    %broadcast_in_dim3A_18 = vector.shape_cast %reduce_sum3A_17 : vector<32xf32> to vector<32x1xf32>
    %add3A = arith.addf %broadcast_in_dim3A_15, %broadcast_in_dim3A_18 : vector<32x1xf32>
    %sub3A = vector.broadcast %max3A : vector<32x1xf32> to vector<32x99968xf32>
    %sub3A_19 = arith.subf %slice3A, %sub3A : vector<32x99968xf32>
    %exp3A = math.exp %sub3A_19 : vector<32x99968xf32>
    %reduce_sum3A_20 = arith.constant dense<0.000000e+00> : vector<32xf32>
    %reduce_sum3A_21 = vector.multi_reduction <add>, %exp3A, %reduce_sum3A_20 [1] : vector<32x99968xf32> to vector<32xf32>
    %broadcast_in_dim3A_22 = vector.shape_cast %reduce_sum3A_21 : vector<32xf32> to vector<32x1xf32>
    %sub3A_23 = vector.broadcast %max3A : vector<32x1xf32> to vector<32x32xf32>
    %sub3A_24 = arith.subf %slice3A_9, %sub3A_23 : vector<32x32xf32>
    %exp3A_25 = math.exp %sub3A_24 : vector<32x32xf32>
    %reduce_sum3A_26 = arith.constant dense<0.000000e+00> : vector<32xf32>
    %reduce_sum3A_27 = vector.multi_reduction <add>, %exp3A_25, %reduce_sum3A_26 [1] : vector<32x32xf32> to vector<32xf32>
    %broadcast_in_dim3A_28 = vector.shape_cast %reduce_sum3A_27 : vector<32xf32> to vector<32x1xf32>
    %add3A_29 = arith.addf %broadcast_in_dim3A_22, %broadcast_in_dim3A_28 : vector<32x1xf32>
    %slice3A_30 = vector.extract_strided_slice %get3A_8 {offsets = [0, 0], sizes = [32, 1], strides = [1, 1]} : vector<32x100000xf32> to vector<32x1xf32>
    %get3A_31 = arith.constant 0 : index
    %get3A_32 = arith.constant 0 : index
    %get3A_33 = vector.load %arg4[%get3A_31, %get3A_32] : memref<32x1xi32, #tpu.memory_space<vmem>>, vector<32x1xi32>
    %iota3A = tpu.iota {dimensions = array<i32: 1>} : vector<32x32xi32>
    %add3A_34 = arith.constant 99968 : i32
    %add3A_35 = vector.broadcast %add3A_34 : i32 to vector<32x32xi32>
    %add3A_36 = arith.addi %add3A_35, %iota3A : vector<32x32xi32>
    %eq3A_37 = vector.broadcast %get3A_33 : vector<32x1xi32> to vector<32x32xi32>
    %eq3A_38 = arith.cmpi eq, %add3A_36, %eq3A_37 : vector<32x32xi32>
    %jit3A = arith.constant 0.000000e+00 : f32
    %broadcast_in_dim3A_39 = vector.broadcast %jit3A : f32 to vector<32x32xf32>
    %select_n3A = arith.select %eq3A_38, %slice3A_9, %broadcast_in_dim3A_39 : vector<32x32xi1>, vector<32x32xf32>
    %reduce_sum3A_40 = arith.constant dense<0.000000e+00> : vector<32xf32>
    %reduce_sum3A_41 = vector.multi_reduction <add>, %select_n3A, %reduce_sum3A_40 [1] : vector<32x32xf32> to vector<32xf32>
    %broadcast_in_dim3A_42 = vector.shape_cast %reduce_sum3A_41 : vector<32xf32> to vector<32x1xf32>
    %scan3A_43 = arith.constant 0 : i32
    %scan3A_44 = arith.constant 32 : i32
    %scan3A_45 = arith.addi %scan3A_43, %scan3A_44 : i32
    %scan3A_46 = arith.constant 1 : i32
    scf.for %scan3A_139 = %scan3A_43 to %scan3A_45 step %scan3A_46  : i32 {
      %add3A_140 = arith.addi %mul3A_0, %scan3A_139 : i32
      %get3A_141 = arith.index_cast %add3A_140 : i32 to index
      %get3A_142 = memref.load %arg1[%get3A_141] : memref<1024xi32, #tpu.memory_space<smem>>
      %jit3A_143 = arith.constant 128 : i32
      %div3A_144 = arith.divsi %get3A_142, %jit3A_143 : i32
      %sign3A_145 = arith.constant 0 : i32
      %sign3A_146 = arith.cmpi sgt, %get3A_142, %sign3A_145 : i32
      %sign3A_147 = arith.extui %sign3A_146 : i1 to i32
      %sign3A_148 = arith.constant 0 : i32
      %sign3A_149 = arith.cmpi slt, %get3A_142, %sign3A_148 : i32
      %sign3A_150 = arith.extui %sign3A_149 : i1 to i32
      %sign3A_151 = arith.subi %sign3A_147, %sign3A_150 : i32
      %sign3A_152 = arith.constant 0 : i32
      %sign3A_153 = arith.cmpi sgt, %jit3A_143, %sign3A_152 : i32
      %sign3A_154 = arith.extui %sign3A_153 : i1 to i32
      %sign3A_155 = arith.constant 0 : i32
      %sign3A_156 = arith.cmpi slt, %jit3A_143, %sign3A_155 : i32
      %sign3A_157 = arith.extui %sign3A_156 : i1 to i32
      %sign3A_158 = arith.subi %sign3A_154, %sign3A_157 : i32
      %ne3A_159 = arith.cmpi ne, %sign3A_151, %sign3A_158 : i32
      %rem3A_160 = arith.remsi %get3A_142, %jit3A_143 : i32
      %ne3A_161 = arith.constant 0 : i32
      %ne3A_162 = arith.cmpi ne, %rem3A_160, %ne3A_161 : i32
      %and3A_163 = arith.andi %ne3A_159, %ne3A_162 : i1
      %sub3A_164 = arith.constant 1 : i32
      %sub3A_165 = arith.subi %div3A_144, %sub3A_164 : i32
      %select_n3A_166 = arith.select %and3A_163, %sub3A_165, %div3A_144 : i32
      %mul3A_167 = arith.constant 128 : i32
      %mul3A_168 = arith.muli %select_n3A_166, %mul3A_167 : i32
      %min3A_169 = arith.constant 99840 : i32
      %min3A_170 = arith.minsi %mul3A_168, %min3A_169 : i32
      %dma_wait3A = arith.constant 0 : i32
      %dma_wait3A_171 = tpu.memref_slice %arg7[%scan3A_139, %dma_wait3A] : memref<32x128xf32, #tpu.memory_space<vmem>> -> memref<1x128xf32, #tpu.memory_space<vmem>>
      %dma_wait3A_172 = tpu.memref_squeeze %dma_wait3A_171 : memref<1x128xf32, #tpu.memory_space<vmem>> -> memref<128xf32, #tpu.memory_space<vmem>>
      %dma_wait3A_173 = tpu.memref_slice %arg3[%add3A_140, %min3A_170] : memref<1024x100000xf32, #tpu.memory_space<hbm>> -> memref<1x128xf32, #tpu.memory_space<hbm>>
      %dma_wait3A_174 = tpu.memref_squeeze %dma_wait3A_173 : memref<1x128xf32, #tpu.memory_space<hbm>> -> memref<128xf32, #tpu.memory_space<hbm>>
      tpu.wait_dma2 semaphore(%arg9 : memref<!tpu.dma_semaphore, #tpu.memory_space<semaphore_mem>>) src(%dma_wait3A_174 : memref<128xf32, #tpu.memory_space<hbm>>) dst(%dma_wait3A_172 : memref<128xf32, #tpu.memory_space<vmem>>)
    }
    %scan3A_47 = arith.constant 32 : i32
    %eq3A_48 = arith.constant 0 : i32
    %eq3A_49 = arith.cmpi eq, %arg0, %eq3A_48 : i32
    %convert_element_type3A_50 = arith.extui %eq3A_49 : i1 to i32
    %cond3A_51 = arith.constant 0 : i32
    %cond3A_52 = arith.cmpi ne, %convert_element_type3A_50, %cond3A_51 : i32
    scf.if %cond3A_52 {
      %scan3A_139 = arith.constant 0 : i32
      %scan3A_140 = arith.constant 256 : i32
      %scan3A_141 = arith.addi %scan3A_139, %scan3A_140 : i32
      %scan3A_142 = arith.constant 1 : i32
      scf.for %scan3A_150 = %scan3A_139 to %scan3A_141 step %scan3A_142  : i32 {
        %add3A_151 = arith.constant 768 : i32
        %add3A_152 = arith.addi %add3A_151, %scan3A_150 : i32
        %get3A_153 = arith.index_cast %add3A_152 : i32 to index
        %get3A_154 = memref.load %arg1[%get3A_153] : memref<1024xi32, #tpu.memory_space<smem>>
        %jit3A_155 = arith.constant 128 : i32
        %div3A_156 = arith.divsi %get3A_154, %jit3A_155 : i32
        %sign3A_157 = arith.constant 0 : i32
        %sign3A_158 = arith.cmpi sgt, %get3A_154, %sign3A_157 : i32
        %sign3A_159 = arith.extui %sign3A_158 : i1 to i32
        %sign3A_160 = arith.constant 0 : i32
        %sign3A_161 = arith.cmpi slt, %get3A_154, %sign3A_160 : i32
        %sign3A_162 = arith.extui %sign3A_161 : i1 to i32
        %sign3A_163 = arith.subi %sign3A_159, %sign3A_162 : i32
        %sign3A_164 = arith.constant 0 : i32
        %sign3A_165 = arith.cmpi sgt, %jit3A_155, %sign3A_164 : i32
        %sign3A_166 = arith.extui %sign3A_165 : i1 to i32
        %sign3A_167 = arith.constant 0 : i32
        %sign3A_168 = arith.cmpi slt, %jit3A_155, %sign3A_167 : i32
        %sign3A_169 = arith.extui %sign3A_168 : i1 to i32
        %sign3A_170 = arith.subi %sign3A_166, %sign3A_169 : i32
        %ne3A_171 = arith.cmpi ne, %sign3A_163, %sign3A_170 : i32
        %rem3A_172 = arith.remsi %get3A_154, %jit3A_155 : i32
        %ne3A_173 = arith.constant 0 : i32
        %ne3A_174 = arith.cmpi ne, %rem3A_172, %ne3A_173 : i32
        %and3A_175 = arith.andi %ne3A_171, %ne3A_174 : i1
        %sub3A_176 = arith.constant 1 : i32
        %sub3A_177 = arith.subi %div3A_156, %sub3A_176 : i32
        %select_n3A_178 = arith.select %and3A_175, %sub3A_177, %div3A_156 : i32
        %mul3A_179 = arith.constant 128 : i32
        %mul3A_180 = arith.muli %select_n3A_178, %mul3A_179 : i32
        %min3A_181 = arith.constant 99840 : i32
        %min3A_182 = arith.minsi %mul3A_180, %min3A_181 : i32
        %dma_wait3A = arith.constant 0 : i32
        %dma_wait3A_183 = tpu.memref_slice %arg8[%scan3A_150, %dma_wait3A] : memref<256x128xf32, #tpu.memory_space<vmem>> -> memref<1x128xf32, #tpu.memory_space<vmem>>
        %dma_wait3A_184 = tpu.memref_squeeze %dma_wait3A_183 : memref<1x128xf32, #tpu.memory_space<vmem>> -> memref<128xf32, #tpu.memory_space<vmem>>
        %dma_wait3A_185 = tpu.memref_slice %arg3[%add3A_152, %min3A_182] : memref<1024x100000xf32, #tpu.memory_space<hbm>> -> memref<1x128xf32, #tpu.memory_space<hbm>>
        %dma_wait3A_186 = tpu.memref_squeeze %dma_wait3A_185 : memref<1x128xf32, #tpu.memory_space<hbm>> -> memref<128xf32, #tpu.memory_space<hbm>>
        tpu.wait_dma2 semaphore(%arg9 : memref<!tpu.dma_semaphore, #tpu.memory_space<semaphore_mem>>) src(%dma_wait3A_186 : memref<128xf32, #tpu.memory_space<hbm>>) dst(%dma_wait3A_184 : memref<128xf32, #tpu.memory_space<vmem>>)
      }
      %scan3A_143 = arith.constant 256 : i32
      %get3A_144 = arith.constant 0 : index
      %get3A_145 = arith.constant 0 : index
      %get3A_146 = vector.load %arg8[%get3A_144, %get3A_145] : memref<256x128xf32, #tpu.memory_space<vmem>>, vector<256x128xf32>
      %swap3A_147 = arith.constant 0 : index
      %swap3A_148 = arith.constant 0 : index
      %swap3A_149 = vector.load %arg6[%swap3A_147, %swap3A_148] : memref<256x128xf32, #tpu.memory_space<vmem>>, vector<256x128xf32>
      tpu.vector_store %arg6[%swap3A_147, %swap3A_148], %get3A_146 {strides = array<i32>} : memref<256x128xf32, #tpu.memory_space<vmem>>, vector<256x128xf32>,
    } else {
    }
    %get3A_53 = arith.constant 0 : index
    %get3A_54 = arith.constant 0 : index
    %get3A_55 = vector.load %arg7[%get3A_53, %get3A_54] : memref<32x128xf32, #tpu.memory_space<vmem>>, vector<32x128xf32>
    %jit3A_56 = arith.constant 128 : i32
    %div3A = vector.broadcast %jit3A_56 : i32 to vector<32x1xi32>
    %div3A_57 = arith.divsi %get3A_33, %div3A : vector<32x1xi32>
    %sign3A = arith.constant 0 : i32
    %sign3A_58 = vector.broadcast %sign3A : i32 to vector<32x1xi32>
    %sign3A_59 = arith.cmpi sgt, %get3A_33, %sign3A_58 : vector<32x1xi32>
    %sign3A_60 = arith.extui %sign3A_59 : vector<32x1xi1> to vector<32x1xi32>
    %sign3A_61 = arith.constant 0 : i32
    %sign3A_62 = vector.broadcast %sign3A_61 : i32 to vector<32x1xi32>
    %sign3A_63 = arith.cmpi slt, %get3A_33, %sign3A_62 : vector<32x1xi32>
    %sign3A_64 = arith.extui %sign3A_63 : vector<32x1xi1> to vector<32x1xi32>
    %sign3A_65 = arith.subi %sign3A_60, %sign3A_64 : vector<32x1xi32>
    %sign3A_66 = arith.constant 0 : i32
    %sign3A_67 = arith.cmpi sgt, %jit3A_56, %sign3A_66 : i32
    %sign3A_68 = arith.extui %sign3A_67 : i1 to i32
    %sign3A_69 = arith.constant 0 : i32
    %sign3A_70 = arith.cmpi slt, %jit3A_56, %sign3A_69 : i32
    %sign3A_71 = arith.extui %sign3A_70 : i1 to i32
    %sign3A_72 = arith.subi %sign3A_68, %sign3A_71 : i32
    %ne3A = vector.broadcast %sign3A_72 : i32 to vector<32x1xi32>
    %ne3A_73 = arith.cmpi ne, %sign3A_65, %ne3A : vector<32x1xi32>
    %rem3A = vector.broadcast %jit3A_56 : i32 to vector<32x1xi32>
    %rem3A_74 = arith.remsi %get3A_33, %rem3A : vector<32x1xi32>
    %ne3A_75 = arith.constant 0 : i32
    %ne3A_76 = vector.broadcast %ne3A_75 : i32 to vector<32x1xi32>
    %ne3A_77 = arith.cmpi ne, %rem3A_74, %ne3A_76 : vector<32x1xi32>
    %and3A = arith.andi %ne3A_73, %ne3A_77 : vector<32x1xi1>
    %sub3A_78 = arith.constant 1 : i32
    %sub3A_79 = vector.broadcast %sub3A_78 : i32 to vector<32x1xi32>
    %sub3A_80 = arith.subi %div3A_57, %sub3A_79 : vector<32x1xi32>
    %select_n3A_81 = arith.select %and3A, %sub3A_80, %div3A_57 : vector<32x1xi1>, vector<32x1xi32>
    %mul3A_82 = arith.constant 128 : i32
    %mul3A_83 = vector.broadcast %mul3A_82 : i32 to vector<32x1xi32>
    %mul3A_84 = arith.muli %select_n3A_81, %mul3A_83 : vector<32x1xi32>
    %min3A = arith.constant 99840 : i32
    %min3A_85 = vector.broadcast %min3A : i32 to vector<32x1xi32>
    %min3A_86 = arith.minsi %mul3A_84, %min3A_85 : vector<32x1xi32>
    %sub3A_87 = arith.subi %get3A_33, %min3A_86 : vector<32x1xi32>
    %iota3A_88 = tpu.iota {dimensions = array<i32: 1>} : vector<32x128xi32>
    %eq3A_89 = vector.broadcast %sub3A_87 : vector<32x1xi32> to vector<32x128xi32>
    %eq3A_90 = arith.cmpi eq, %iota3A_88, %eq3A_89 : vector<32x128xi32>
    %jit3A_91 = arith.constant 0.000000e+00 : f32
    %broadcast_in_dim3A_92 = vector.broadcast %jit3A_91 : f32 to vector<32x128xf32>
    %select_n3A_93 = arith.select %eq3A_90, %get3A_55, %broadcast_in_dim3A_92 : vector<32x128xi1>, vector<32x128xf32>
    %reduce_sum3A_94 = arith.constant dense<0.000000e+00> : vector<32xf32>
    %reduce_sum3A_95 = vector.multi_reduction <add>, %select_n3A_93, %reduce_sum3A_94 [1] : vector<32x128xf32> to vector<32xf32>
    %broadcast_in_dim3A_96 = vector.shape_cast %reduce_sum3A_95 : vector<32xf32> to vector<32x1xf32>
    %ge3A = arith.constant 99968 : i32
    %ge3A_97 = vector.broadcast %ge3A : i32 to vector<32x1xi32>
    %ge3A_98 = arith.cmpi sge, %get3A_33, %ge3A_97 : vector<32x1xi32>
    %select_n3A_99 = arith.select %ge3A_98, %broadcast_in_dim3A_42, %broadcast_in_dim3A_96 : vector<32x1xi1>, vector<32x1xf32>
    %log3A = math.log %add3A_29 : vector<32x1xf32>
    %add3A_100 = arith.addf %max3A, %log3A : vector<32x1xf32>
    %sub3A_101 = arith.subf %select_n3A_99, %add3A_100 : vector<32x1xf32>
    %sub3A_102 = arith.subf %slice3A_30, %add3A_100 : vector<32x1xf32>
    %mul3A_103 = arith.constant 1.000000e+05 : f32
    %mul3A_104 = vector.broadcast %mul3A_103 : f32 to vector<32x1xf32>
    %mul3A_105 = arith.mulf %mul3A_104, %add3A_100 : vector<32x1xf32>
    %sub3A_106 = arith.subf %add3A, %mul3A_105 : vector<32x1xf32>
    %sub3A_107 = arith.subf %sub3A_106, %sub3A_101 : vector<32x1xf32>
    %sub3A_108 = arith.subf %sub3A_107, %sub3A_102 : vector<32x1xf32>
    %mul3A_109 = arith.constant 1.000020e-06 : f32
    %mul3A_110 = vector.broadcast %mul3A_109 : f32 to vector<32x1xf32>
    %mul3A_111 = arith.mulf %mul3A_110, %sub3A_108 : vector<32x1xf32>
    %mul3A_112 = arith.constant 0.899999976 : f32
    %mul3A_113 = vector.broadcast %mul3A_112 : f32 to vector<32x1xf32>
    %mul3A_114 = arith.mulf %mul3A_113, %sub3A_101 : vector<32x1xf32>
    %add3A_115 = arith.addf %mul3A_111, %mul3A_114 : vector<32x1xf32>
    %ne3A_116 = arith.constant 0 : i32
    %ne3A_117 = vector.broadcast %ne3A_116 : i32 to vector<32x1xi32>
    %ne3A_118 = arith.cmpi ne, %get3A_33, %ne3A_117 : vector<32x1xi32>
    %jit3A_119 = arith.constant 0.000000e+00 : f32
    %broadcast_in_dim3A_120 = vector.broadcast %jit3A_119 : f32 to vector<32x1xf32>
    %select_n3A_121 = arith.select %ne3A_118, %add3A_115, %broadcast_in_dim3A_120 : vector<32x1xi1>, vector<32x1xf32>
    %reduce_sum3A_122 = vector.shape_cast %select_n3A_121 : vector<32x1xf32> to vector<1x32x1xf32>
    %reduce_sum3A_123 = arith.constant dense<0.000000e+00> : vector<1xf32>
    %reduce_sum3A_124 = vector.multi_reduction <add>, %reduce_sum3A_122, %reduce_sum3A_123 [1, 2] : vector<1x32x1xf32> to vector<1xf32>
    %reduce_sum3A_125 = vector.shape_cast %reduce_sum3A_124 : vector<1xf32> to vector<1x1x1xf32>
    %reduce_sum3A_126 = vector.extract %reduce_sum3A_125[0, 0, 0] : f32 from vector<1x1x1xf32>
    %reshape3A = vector.broadcast %reduce_sum3A_126 : f32 to vector<1x1xf32>
    %convert_element_type3A_127 = arith.extui %ne3A_118 : vector<32x1xi1> to vector<32x1xi32>
    %convert_element_type3A_128 = arith.sitofp %convert_element_type3A_127 : vector<32x1xi32> to vector<32x1xf32>
    %reduce_sum3A_129 = vector.shape_cast %convert_element_type3A_128 : vector<32x1xf32> to vector<1x32x1xf32>
    %reduce_sum3A_130 = arith.constant dense<0.000000e+00> : vector<1xf32>
    %reduce_sum3A_131 = vector.multi_reduction <add>, %reduce_sum3A_129, %reduce_sum3A_130 [1, 2] : vector<1x32x1xf32> to vector<1xf32>
    %reduce_sum3A_132 = vector.shape_cast %reduce_sum3A_131 : vector<1xf32> to vector<1x1x1xf32>
    %reduce_sum3A_133 = vector.extract %reduce_sum3A_132[0, 0, 0] : f32 from vector<1x1x1xf32>
    %reshape3A_134 = vector.broadcast %reduce_sum3A_133 : f32 to vector<1x1xf32>
    %concatenate3A = tpu.concatenate %reshape3A, %reshape3A_134 in 1 : vector<1x1xf32>, vector<1x1xf32> -> vector<1x2xf32>
    %reshape3A_135 = vector.shape_cast %concatenate3A : vector<1x2xf32> to vector<1x1x2xf32>
    %swap3A = arith.constant 0 : index
    %swap3A_136 = arith.constant 0 : index
    %swap3A_137 = arith.constant 0 : index
    %swap3A_138 = vector.load %arg5[%swap3A, %swap3A_136, %swap3A_137] : memref<1x1x2xf32, #tpu.memory_space<vmem>>, vector<1x1x2xf32>
    tpu.vector_store %arg5[%swap3A, %swap3A_136, %swap3A_137], %reshape3A_135 {strides = array<i32>} : memref<1x1x2xf32, #tpu.memory_space<vmem>>, vector<1x1x2xf32>,
    return
  }
  func.func @transform_0(%arg0: i32, %arg1: memref<1024xi32, #tpu.memory_space<smem>>) -> (i32, i32) {
    %c0_i32 = arith.constant 0 : i32
    %c0_i32_0 = arith.constant 0 : i32
    return %arg0, %c0_i32 : i32, i32
  }
  func.func @transform_2(%arg0: i32, %arg1: memref<1024xi32, #tpu.memory_space<smem>>) -> (i32, i32) {
    %c0_i32 = arith.constant 0 : i32
    %c0_i32_0 = arith.constant 0 : i32
    return %arg0, %c0_i32 : i32, i32
  }
  func.func @transform_3(%arg0: i32, %arg1: memref<1024xi32, #tpu.memory_space<smem>>) -> (i32, i32, i32) {
    %c0_i32 = arith.constant 0 : i32
    %c0_i32_0 = arith.constant 0 : i32
    %c0_i32_1 = arith.constant 0 : i32
    return %arg0, %c0_i32, %c0_i32_0 : i32, i32, i32
  }
  func.func @transform_4(%arg0: i32, %arg1: memref<1024xi32, #tpu.memory_space<smem>>) -> (i32, i32) {
    %c0_i32 = arith.constant 0 : i32
    %c0_i32_0 = arith.constant 0 : i32
    %c0_i32_1 = arith.constant 0 : i32
    return %c0_i32, %c0_i32_0 : i32, i32
  }
}

module attributes {stable_mosaic.version = 14 : i64} {
  func.func @_combine_kernel(%arg0: memref<24x1x2xf32, #tpu.memory_space<vmem>>, %arg1: memref<256x16xf32, #tpu.memory_space<vmem>>, %arg2: memref<256x16xf32, #tpu.memory_space<vmem>>, %arg3: memref<256x16xf32, #tpu.memory_space<vmem>>, %arg4: memref<256x16xf32, #tpu.memory_space<vmem>>, %arg5: memref<256x128xf32, #tpu.memory_space<vmem>>, %arg6: memref<256x32xf32, #tpu.memory_space<vmem>>, %arg7: memref<256x1xi32, #tpu.memory_space<vmem>>, %arg8: memref<1x1xf32, #tpu.memory_space<vmem>>) attributes {dimension_semantics = [], scalar_prefetch = 0 : i64, scratch_operands = 0 : i64, tpu.core_type = #tpu.core_type<tc>} {
    %get3A = arith.constant 0 : index
    %get3A_0 = arith.constant 0 : index
    %get3A_1 = arith.constant 0 : index
    %get3A_2 = vector.load %arg0[%get3A, %get3A_0, %get3A_1] : memref<24x1x2xf32, #tpu.memory_space<vmem>>, vector<24x1x2xf32>
    %reshape3A = vector.shape_cast %get3A_2 : vector<24x1x2xf32> to vector<24x2xf32>
    %slice3A = vector.extract_strided_slice %reshape3A {offsets = [0, 0], sizes = [24, 1], strides = [1, 1]} : vector<24x2xf32> to vector<24x1xf32>
    %reduce_sum3A = vector.shape_cast %slice3A : vector<24x1xf32> to vector<1x24x1xf32>
    %reduce_sum3A_3 = arith.constant dense<0.000000e+00> : vector<1xf32>
    %reduce_sum3A_4 = vector.multi_reduction <add>, %reduce_sum3A, %reduce_sum3A_3 [1, 2] : vector<1x24x1xf32> to vector<1xf32>
    %reduce_sum3A_5 = vector.shape_cast %reduce_sum3A_4 : vector<1xf32> to vector<1x1x1xf32>
    %reduce_sum3A_6 = vector.extract %reduce_sum3A_5[0, 0, 0] : f32 from vector<1x1x1xf32>
    %slice3A_7 = vector.extract_strided_slice %reshape3A {offsets = [0, 1], sizes = [24, 1], strides = [1, 1]} : vector<24x2xf32> to vector<24x1xf32>
    %reduce_sum3A_8 = vector.shape_cast %slice3A_7 : vector<24x1xf32> to vector<1x24x1xf32>
    %reduce_sum3A_9 = arith.constant dense<0.000000e+00> : vector<1xf32>
    %reduce_sum3A_10 = vector.multi_reduction <add>, %reduce_sum3A_8, %reduce_sum3A_9 [1, 2] : vector<1x24x1xf32> to vector<1xf32>
    %reduce_sum3A_11 = vector.shape_cast %reduce_sum3A_10 : vector<1xf32> to vector<1x1x1xf32>
    %reduce_sum3A_12 = vector.extract %reduce_sum3A_11[0, 0, 0] : f32 from vector<1x1x1xf32>
    %get3A_13 = arith.constant 0 : index
    %get3A_14 = arith.constant 0 : index
    %get3A_15 = vector.load %arg1[%get3A_13, %get3A_14] : memref<256x16xf32, #tpu.memory_space<vmem>>, vector<256x16xf32>
    %reduce_max3A = arith.constant dense<0xFF800000> : vector<256xf32>
    %reduce_max3A_16 = vector.multi_reduction <maximumf>, %get3A_15, %reduce_max3A [1] : vector<256x16xf32> to vector<256xf32>
    %broadcast_in_dim3A = vector.shape_cast %reduce_max3A_16 : vector<256xf32> to vector<256x1xf32>
    %get3A_17 = arith.constant 0 : index
    %get3A_18 = arith.constant 0 : index
    %get3A_19 = vector.load %arg3[%get3A_17, %get3A_18] : memref<256x16xf32, #tpu.memory_space<vmem>>, vector<256x16xf32>
    %sub3A = vector.broadcast %broadcast_in_dim3A : vector<256x1xf32> to vector<256x16xf32>
    %sub3A_20 = arith.subf %get3A_15, %sub3A : vector<256x16xf32>
    %exp3A = math.exp %sub3A_20 : vector<256x16xf32>
    %mul3A = arith.mulf %get3A_19, %exp3A : vector<256x16xf32>
    %reduce_sum3A_21 = arith.constant dense<0.000000e+00> : vector<256xf32>
    %reduce_sum3A_22 = vector.multi_reduction <add>, %mul3A, %reduce_sum3A_21 [1] : vector<256x16xf32> to vector<256xf32>
    %broadcast_in_dim3A_23 = vector.shape_cast %reduce_sum3A_22 : vector<256xf32> to vector<256x1xf32>
    %get3A_24 = arith.constant 0 : index
    %get3A_25 = arith.constant 0 : index
    %get3A_26 = vector.load %arg2[%get3A_24, %get3A_25] : memref<256x16xf32, #tpu.memory_space<vmem>>, vector<256x16xf32>
    %reduce_sum3A_27 = arith.constant dense<0.000000e+00> : vector<256xf32>
    %reduce_sum3A_28 = vector.multi_reduction <add>, %get3A_26, %reduce_sum3A_27 [1] : vector<256x16xf32> to vector<256xf32>
    %broadcast_in_dim3A_29 = vector.shape_cast %reduce_sum3A_28 : vector<256xf32> to vector<256x1xf32>
    %get3A_30 = arith.constant 0 : index
    %get3A_31 = arith.constant 0 : index
    %get3A_32 = vector.load %arg4[%get3A_30, %get3A_31] : memref<256x16xf32, #tpu.memory_space<vmem>>, vector<256x16xf32>
    %slice3A_33 = vector.extract_strided_slice %get3A_32 {offsets = [0, 0], sizes = [256, 1], strides = [1, 1]} : vector<256x16xf32> to vector<256x1xf32>
    %get3A_34 = arith.constant 0 : index
    %get3A_35 = arith.constant 0 : index
    %get3A_36 = vector.load %arg7[%get3A_34, %get3A_35] : memref<256x1xi32, #tpu.memory_space<vmem>>, vector<256x1xi32>
    %get3A_37 = arith.constant 0 : index
    %get3A_38 = arith.constant 0 : index
    %get3A_39 = vector.load %arg5[%get3A_37, %get3A_38] : memref<256x128xf32, #tpu.memory_space<vmem>>, vector<256x128xf32>
    %jit3A = arith.constant 128 : i32
    %div3A = vector.broadcast %jit3A : i32 to vector<256x1xi32>
    %div3A_40 = arith.divsi %get3A_36, %div3A : vector<256x1xi32>
    %sign3A = arith.constant 0 : i32
    %sign3A_41 = vector.broadcast %sign3A : i32 to vector<256x1xi32>
    %sign3A_42 = arith.cmpi sgt, %get3A_36, %sign3A_41 : vector<256x1xi32>
    %sign3A_43 = arith.extui %sign3A_42 : vector<256x1xi1> to vector<256x1xi32>
    %sign3A_44 = arith.constant 0 : i32
    %sign3A_45 = vector.broadcast %sign3A_44 : i32 to vector<256x1xi32>
    %sign3A_46 = arith.cmpi slt, %get3A_36, %sign3A_45 : vector<256x1xi32>
    %sign3A_47 = arith.extui %sign3A_46 : vector<256x1xi1> to vector<256x1xi32>
    %sign3A_48 = arith.subi %sign3A_43, %sign3A_47 : vector<256x1xi32>
    %sign3A_49 = arith.constant 0 : i32
    %sign3A_50 = arith.cmpi sgt, %jit3A, %sign3A_49 : i32
    %sign3A_51 = arith.extui %sign3A_50 : i1 to i32
    %sign3A_52 = arith.constant 0 : i32
    %sign3A_53 = arith.cmpi slt, %jit3A, %sign3A_52 : i32
    %sign3A_54 = arith.extui %sign3A_53 : i1 to i32
    %sign3A_55 = arith.subi %sign3A_51, %sign3A_54 : i32
    %ne3A = vector.broadcast %sign3A_55 : i32 to vector<256x1xi32>
    %ne3A_56 = arith.cmpi ne, %sign3A_48, %ne3A : vector<256x1xi32>
    %rem3A = vector.broadcast %jit3A : i32 to vector<256x1xi32>
    %rem3A_57 = arith.remsi %get3A_36, %rem3A : vector<256x1xi32>
    %ne3A_58 = arith.constant 0 : i32
    %ne3A_59 = vector.broadcast %ne3A_58 : i32 to vector<256x1xi32>
    %ne3A_60 = arith.cmpi ne, %rem3A_57, %ne3A_59 : vector<256x1xi32>
    %and3A = arith.andi %ne3A_56, %ne3A_60 : vector<256x1xi1>
    %sub3A_61 = arith.constant 1 : i32
    %sub3A_62 = vector.broadcast %sub3A_61 : i32 to vector<256x1xi32>
    %sub3A_63 = arith.subi %div3A_40, %sub3A_62 : vector<256x1xi32>
    %select_n3A = arith.select %and3A, %sub3A_63, %div3A_40 : vector<256x1xi1>, vector<256x1xi32>
    %mul3A_64 = arith.constant 128 : i32
    %mul3A_65 = vector.broadcast %mul3A_64 : i32 to vector<256x1xi32>
    %mul3A_66 = arith.muli %select_n3A, %mul3A_65 : vector<256x1xi32>
    %min3A = arith.constant 99840 : i32
    %min3A_67 = vector.broadcast %min3A : i32 to vector<256x1xi32>
    %min3A_68 = arith.minsi %mul3A_66, %min3A_67 : vector<256x1xi32>
    %sub3A_69 = arith.subi %get3A_36, %min3A_68 : vector<256x1xi32>
    %iota3A = tpu.iota {dimensions = array<i32: 1>} : vector<256x128xi32>
    %eq3A = vector.broadcast %sub3A_69 : vector<256x1xi32> to vector<256x128xi32>
    %eq3A_70 = arith.cmpi eq, %iota3A, %eq3A : vector<256x128xi32>
    %jit3A_71 = arith.constant 0.000000e+00 : f32
    %broadcast_in_dim3A_72 = vector.broadcast %jit3A_71 : f32 to vector<256x128xf32>
    %select_n3A_73 = arith.select %eq3A_70, %get3A_39, %broadcast_in_dim3A_72 : vector<256x128xi1>, vector<256x128xf32>
    %reduce_sum3A_74 = arith.constant dense<0.000000e+00> : vector<256xf32>
    %reduce_sum3A_75 = vector.multi_reduction <add>, %select_n3A_73, %reduce_sum3A_74 [1] : vector<256x128xf32> to vector<256xf32>
    %broadcast_in_dim3A_76 = vector.shape_cast %reduce_sum3A_75 : vector<256xf32> to vector<256x1xf32>
    %get3A_77 = arith.constant 0 : index
    %get3A_78 = arith.constant 0 : index
    %get3A_79 = vector.load %arg6[%get3A_77, %get3A_78] : memref<256x32xf32, #tpu.memory_space<vmem>>, vector<256x32xf32>
    %iota3A_80 = tpu.iota {dimensions = array<i32: 1>} : vector<256x32xi32>
    %add3A = arith.constant 99968 : i32
    %add3A_81 = vector.broadcast %add3A : i32 to vector<256x32xi32>
    %add3A_82 = arith.addi %add3A_81, %iota3A_80 : vector<256x32xi32>
    %eq3A_83 = vector.broadcast %get3A_36 : vector<256x1xi32> to vector<256x32xi32>
    %eq3A_84 = arith.cmpi eq, %add3A_82, %eq3A_83 : vector<256x32xi32>
    %jit3A_85 = arith.constant 0.000000e+00 : f32
    %broadcast_in_dim3A_86 = vector.broadcast %jit3A_85 : f32 to vector<256x32xf32>
    %select_n3A_87 = arith.select %eq3A_84, %get3A_79, %broadcast_in_dim3A_86 : vector<256x32xi1>, vector<256x32xf32>
    %reduce_sum3A_88 = arith.constant dense<0.000000e+00> : vector<256xf32>
    %reduce_sum3A_89 = vector.multi_reduction <add>, %select_n3A_87, %reduce_sum3A_88 [1] : vector<256x32xf32> to vector<256xf32>
    %broadcast_in_dim3A_90 = vector.shape_cast %reduce_sum3A_89 : vector<256xf32> to vector<256x1xf32>
    %ge3A = arith.constant 99968 : i32
    %ge3A_91 = vector.broadcast %ge3A : i32 to vector<256x1xi32>
    %ge3A_92 = arith.cmpi sge, %get3A_36, %ge3A_91 : vector<256x1xi32>
    %select_n3A_93 = arith.select %ge3A_92, %broadcast_in_dim3A_90, %broadcast_in_dim3A_76 : vector<256x1xi1>, vector<256x1xf32>
    %log3A = math.log %broadcast_in_dim3A_23 : vector<256x1xf32>
    %add3A_94 = arith.addf %broadcast_in_dim3A, %log3A : vector<256x1xf32>
    %sub3A_95 = arith.subf %select_n3A_93, %add3A_94 : vector<256x1xf32>
    %sub3A_96 = arith.subf %slice3A_33, %add3A_94 : vector<256x1xf32>
    %mul3A_97 = arith.constant 1.000000e+05 : f32
    %mul3A_98 = vector.broadcast %mul3A_97 : f32 to vector<256x1xf32>
    %mul3A_99 = arith.mulf %mul3A_98, %add3A_94 : vector<256x1xf32>
    %sub3A_100 = arith.subf %broadcast_in_dim3A_29, %mul3A_99 : vector<256x1xf32>
    %sub3A_101 = arith.subf %sub3A_100, %sub3A_95 : vector<256x1xf32>
    %sub3A_102 = arith.subf %sub3A_101, %sub3A_96 : vector<256x1xf32>
    %mul3A_103 = arith.constant 1.000020e-06 : f32
    %mul3A_104 = vector.broadcast %mul3A_103 : f32 to vector<256x1xf32>
    %mul3A_105 = arith.mulf %mul3A_104, %sub3A_102 : vector<256x1xf32>
    %mul3A_106 = arith.constant 0.899999976 : f32
    %mul3A_107 = vector.broadcast %mul3A_106 : f32 to vector<256x1xf32>
    %mul3A_108 = arith.mulf %mul3A_107, %sub3A_95 : vector<256x1xf32>
    %add3A_109 = arith.addf %mul3A_105, %mul3A_108 : vector<256x1xf32>
    %ne3A_110 = arith.constant 0 : i32
    %ne3A_111 = vector.broadcast %ne3A_110 : i32 to vector<256x1xi32>
    %ne3A_112 = arith.cmpi ne, %get3A_36, %ne3A_111 : vector<256x1xi32>
    %jit3A_113 = arith.constant 0.000000e+00 : f32
    %broadcast_in_dim3A_114 = vector.broadcast %jit3A_113 : f32 to vector<256x1xf32>
    %select_n3A_115 = arith.select %ne3A_112, %add3A_109, %broadcast_in_dim3A_114 : vector<256x1xi1>, vector<256x1xf32>
    %reduce_sum3A_116 = vector.shape_cast %select_n3A_115 : vector<256x1xf32> to vector<1x256x1xf32>
    %reduce_sum3A_117 = arith.constant dense<0.000000e+00> : vector<1xf32>
    %reduce_sum3A_118 = vector.multi_reduction <add>, %reduce_sum3A_116, %reduce_sum3A_117 [1, 2] : vector<1x256x1xf32> to vector<1xf32>
    %reduce_sum3A_119 = vector.shape_cast %reduce_sum3A_118 : vector<1xf32> to vector<1x1x1xf32>
    %reduce_sum3A_120 = vector.extract %reduce_sum3A_119[0, 0, 0] : f32 from vector<1x1x1xf32>
    %add3A_121 = arith.addf %reduce_sum3A_6, %reduce_sum3A_120 : f32
    %convert_element_type3A = arith.extui %ne3A_112 : vector<256x1xi1> to vector<256x1xi32>
    %convert_element_type3A_122 = arith.sitofp %convert_element_type3A : vector<256x1xi32> to vector<256x1xf32>
    %reduce_sum3A_123 = vector.shape_cast %convert_element_type3A_122 : vector<256x1xf32> to vector<1x256x1xf32>
    %reduce_sum3A_124 = arith.constant dense<0.000000e+00> : vector<1xf32>
    %reduce_sum3A_125 = vector.multi_reduction <add>, %reduce_sum3A_123, %reduce_sum3A_124 [1, 2] : vector<1x256x1xf32> to vector<1xf32>
    %reduce_sum3A_126 = vector.shape_cast %reduce_sum3A_125 : vector<1xf32> to vector<1x1x1xf32>
    %reduce_sum3A_127 = vector.extract %reduce_sum3A_126[0, 0, 0] : f32 from vector<1x1x1xf32>
    %add3A_128 = arith.addf %reduce_sum3A_12, %reduce_sum3A_127 : f32
    %neg3A = arith.constant 0.000000e+00 : f32
    %neg3A_129 = arith.subf %neg3A, %add3A_121 : f32
    %max3A = arith.constant 1.000000e+00 : f32
    %max3A_130 = arith.maximumf %add3A_128, %max3A : f32
    %div3A_131 = arith.divf %neg3A_129, %max3A_130 : f32
    %reshape3A_132 = vector.broadcast %div3A_131 : f32 to vector<1x1xf32>
    %swap3A = arith.constant 0 : index
    %swap3A_133 = arith.constant 0 : index
    %swap3A_134 = vector.load %arg8[%swap3A, %swap3A_133] : memref<1x1xf32, #tpu.memory_space<vmem>>, vector<1x1xf32>
    tpu.vector_store %arg8[%swap3A, %swap3A_133], %reshape3A_132 {strides = array<i32>} : memref<1x1xf32, #tpu.memory_space<vmem>>, vector<1x1xf32>,
    return
  }
}

</mosaic_0001>

<sc_bundles>
// kernel: kernel.5.cloned.1.call-start
scs
__scs_entry_jumppad:
0x0: {  	(pc) =	sbr.rel $0x88, $3  }
0x1: {  	(tag) =	ssettag $0x0;
	lr =	simm.s32 $0x1  }
0x2: {  	[smem:$0x3F9F] =	sst lr;
	_ =	strace $0xD0000000  }
0x3: {  	_ = 	snop  }
0x4: {  	_ = 	snop  }
0x5: {  	_ = 	snop  }
0x6: {  	_ = 	snop  }
0x7: {  	_ = 	snop  }
__scs_overlays_trampoline_lowered:
0x8: {  	[smem:$0x3FAE] =	sst s0  }
0x9: {  	[smem:$0x3FAF] =	sst s1  }
0xa: {  	[smem:$0x3FB0] =	sst s2  }
0xb: {  	[smem:$0x3FB1] =	sst s3  }
0xc: {  	[smem:$0x3FB2] =	sst s4  }
0xd: {  	[smem:$0x3FB3] =	sst s5  }
0xe: {  	[smem:$0x3FB4] =	sst s6  }
0xf: {  	[smem:$0x3FB5] =	sst s7  }
0x10: {  	[smem:$0x3FB6] =	sst s8  }
0x11: {  	[smem:$0x3FB7] =	sst s9;
	s0 =	simm.s32 @!p0 $0x0  }
0x12: {  	s1 =	sld [smem:$0x3F9D];
	s0 =	simm.s32 @p0 $0x1  }
0x13: {  	[smem:$0x3FB8] =	sst s0;
	s0 =	simm.s32 @!p1 $0x0  }
0x14: {  	s2 =	sld [smem:$0x3F9C];
	s0 =	simm.s32 @p1 $0x1  }
0x15: {  	[smem:$0x3FB9] =	sst s0;
	s0 =	simm.s32 @!p2 $0x0  }
0x16: {  	s3 =	sld [smem:$0x3FDB];
	s0 =	simm.s32 @p2 $0x1  }
0x17: {  	s4 =	simm.s32 $0x1BF5;
	[smem:$0x3FBB] =	sst s0  }
0x18: {  	s0 =	sld [smem:$0x3F9E];
	_ =	swait.ge [sflag:s4], $0x0  }
0x19: {  	s7 =	sld [smem:$0x3F9F]  }
0x1a: {  	s8 =	sadd.s32 $0xFFFFE003, lr  }
0x1b: {  	s9 =	sadd.s32 $0xFFFFFEF7, lr;
	s5 =	simm.s32 $0xFFFFFFFF;
	p2 =	slt.u32 s8, $0xFFFFF086  }
0x1c: {  	p1 =	slt.u32 s9, $0xF7A;
	s5 =	simm.s32 @!p2 $0x0  }
0x1d: {  	s5 =	simm.s32 @p1 $0x1;
	p0 =	seq.s32 s7, s2  }
0x1e: {  	s7 =	smul.u32 @!p0 $0xF7A, s2;
	p2 =	seq.s32 @!p0 s5, $0x0  }
0x1f: {  	s9 =	smul.u32 $0xF7A, s1;
	s8 =	simm.s32 @!p0 $0x1BF5;
	p2 =	por !p2, p0  }
0x20: {  	[sflag:s8] =	ssyncset.s32 @!p0 $0xFFFFF086;
	s6 =	sadd.s32 @!p0 s3, s7;
	s7 =	simm.s32 @!p0 $0x108  }
0x21: {  	s3 =	sadd.s32 s3, s9;
	s6 =	sadd.s32 @!p0 $0x88, s6;
	s7 =	simm.s32 @p2 $0x1082  }
0x22: {  	[simem:s7], [sflag:s8] =	dma.local @!p0 [hbm:s6], $0xF7A  }
0x23: {  	s9 =	sor.u32 $0xD0000000, s2;
	s6 =	simm.s32 $0x108;
	_ =	swait.ge @!p0 [sflag:s8], $0x0  }
0x24: {  	s3 =	sadd.s32 $0x88, s3;
	s6 =	simm.s32 @!p1 $0x1082;
	[sflag:s4] =	ssyncset.s32 $0xFFFFF086  }
0x25: {  	[simem:s6], [sflag:s4] =	dma.local [hbm:s3], $0xF7A  }
0x26: {  	[smem:$0x3F9F] =	sst s1;
	(tag) =	ssettag s2;
	_ =	strace s9  }
0x27: {  	s1 =	sld [smem:$0x3FAF]  }
0x28: {  	s2 =	sld [smem:$0x3FB0]  }
0x29: {  	s4 =	sld [smem:$0x3FB2]  }
0x2a: {  	p0 =	seq.s32 s5, $0x0;
	s5 =	sld [smem:$0x3FB3]  }
0x2b: {  	s6 =	sld [smem:$0x3FB4]  }
0x2c: {  	s7 =	sld [smem:$0x3FB5]  }
0x2d: {  	s3 =	simm.s32 $0x108;
	s8 =	sld [smem:$0x3FB6]  }
0x2e: {  	s3 =	simm.s32 @!p0 $0x1082;
	s9 =	sld [smem:$0x3FB7]  }
0x2f: {  	lr =	sadd.s32 s0, s3;
	s0 =	sld [smem:$0x3FAE]  }
0x30: {  	s3 =	sld [smem:$0x3FB1]  }
0x31: {  	[smem:$0x3FBA] =	sst s10  }
0x32: {  	s10 =	sld [smem:$0x3FB8];
	_ =	sdelay $0x3  }
0x33: {  	p0 =	seq.s32 s10, $0x1;
	s10 =	sld [smem:$0x3FBA];
	_ =	sdelay $0x3  }
0x34: {  	[smem:$0x3FBA] =	sst s10  }
0x35: {  	s10 =	sld [smem:$0x3FB9];
	_ =	sdelay $0x3  }
0x36: {  	p1 =	seq.s32 s10, $0x1;
	s10 =	sld [smem:$0x3FBA];
	_ =	sdelay $0x3  }
0x37: {  	[smem:$0x3FBA] =	sst s10  }
0x38: {  	s10 =	sld [smem:$0x3FBB]  }
0x39: {  	_ = 	snop;
	(pc) =	sbr.ind lr, $3  }
0x3a: {  	_ = 	snop  }
0x3b: {  	_ = 	snop  }
0x3c: {  	p2 =	seq.s32 s10, $0x1;
	s10 =	sld [smem:$0x3FBA]  }
0x3d: {  	_ =	shalt  }
0x3e: {  	_ =	shalt  }
0x3f: {  	_ =	shalt  }
0x40: {  	_ =	shalt  }
0x41: {  	_ =	shalt  }
0x42: {  	_ =	shalt  }
0x43: {  	_ =	shalt  }
0x44: {  	_ =	shalt  }
0x45: {  	_ =	shalt  }
0x46: {  	_ =	shalt  }
0x47: {  	_ =	shalt  }
0x48: {  	_ =	shalt  }
0x49: {  	_ =	shalt  }
0x4a: {  	_ =	shalt  }
0x4b: {  	_ =	shalt  }
0x4c: {  	_ =	shalt  }
0x4d: {  	_ =	shalt  }
0x4e: {  	_ =	shalt  }
0x4f: {  	_ =	shalt  }
0x50: {  	_ =	shalt  }
0x51: {  	_ =	shalt  }
0x52: {  	_ =	shalt  }
0x53: {  	_ =	shalt  }
0x54: {  	_ =	shalt  }
0x55: {  	_ =	shalt  }
0x56: {  	_ =	shalt  }
0x57: {  	_ =	shalt  }
0x58: {  	_ =	shalt  }
0x59: {  	_ =	shalt  }
0x5a: {  	_ =	shalt  }
0x5b: {  	_ =	shalt  }
0x5c: {  	_ =	shalt  }
0x5d: {  	_ =	shalt  }
0x5e: {  	_ =	shalt  }
0x5f: {  	_ =	shalt  }
0x60: {  	_ =	shalt  }
0x61: {  	_ =	shalt  }
0x62: {  	_ =	shalt  }
0x63: {  	_ =	shalt  }
0x64: {  	_ =	shalt  }
0x65: {  	_ =	shalt  }
0x66: {  	_ =	shalt  }
0x67: {  	_ =	shalt  }
0x68: {  	_ =	shalt  }
0x69: {  	_ =	shalt  }
0x6a: {  	_ =	shalt  }
0x6b: {  	_ =	shalt  }
0x6c: {  	_ =	shalt  }
0x6d: {  	_ =	shalt  }
0x6e: {  	_ =	shalt  }
0x6f: {  	_ =	shalt  }
0x70: {  	_ =	shalt  }
0x71: {  	_ =	shalt  }
0x72: {  	_ =	shalt  }
0x73: {  	_ =	shalt  }
0x74: {  	_ =	shalt  }
0x75: {  	_ =	shalt  }
0x76: {  	_ =	shalt  }
0x77: {  	_ =	shalt  }
0x78: {  	_ =	shalt  }
0x79: {  	_ =	shalt  }
0x7a: {  	_ =	shalt  }
0x7b: {  	_ =	shalt  }
0x7c: {  	_ =	shalt  }
0x7d: {  	_ =	shalt  }
0x7e: {  	_ =	shalt  }
0x7f: {  	_ =	shalt  }
0x80: {  	_ =	shalt  }
0x81: {  	_ =	shalt  }
0x82: {  	_ =	shalt  }
0x83: {  	_ =	shalt  }
0x84: {  	_ =	shalt  }
0x85: {  	_ =	shalt  }
0x86: {  	_ =	shalt  }
0x87: {  	_ =	shalt  }
.Lfunc_end0:
.L_simem_size_0:
called_computation_lowered:
.L_overlay_start_0:
0x88: {  	s2 =	sld [smem:$0x3FD9]  }
0x89: {  	s3 =	sld [smem:$0x3FFE];
	_ =	sdelay $0x1  }
0x8a: {  	s1 =	srdreg.scid  }
0x8b: {  	s0 =	sand.u32 $0x1, s1  }
0x8c: {  	s16 =	sshll.u32 s0, $0xA;
	s2 =	sadd.s32 s3, s2  }
0x8d: {  	s2 =	sadd.s32 s2, s16  }
0x8e: {  	[smem:$0x3FC6] =	sst s2  }
0x8f: {  	_ = 	snop  }
0x90: {  	(tm) =	ssettm $0x1  }
0x91: {  	s17 =	sld [smem:$0x3FFB];
	_ =	sdelay $0x3  }
0x92: {  	_ =	strace s17  }
0x93: {  	s2 =	sld [smem:$0x3FFC];
	_ =	sdelay $0x3  }
0x94: {  	_ =	strace s2  }
0x95: {  	s2 =	sld [smem:$0x3FFD];
	_ =	sdelay $0x3  }
0x96: {  	_ =	strace s2  }
0x97: {  	_ =	strace $0x8FFFFFFF  }
0x98: {  	s18 =	sld [smem:$0x3FDB];
	_ =	sdelay $0x1  }
0x99: {  	s19 =	simm.s32 $_scs_section_size  }
0x9a: {  	s4 =	simm.s32 $_size__tile_overlayer_lowered;
	s5 =	simm.s32 $_tile_overlayer_lowered  }
0x9b: {  	s22 =	simm.s32 $0x1BFF;
	s21 =	sshll.u32 s5, $0x1;
	s2 =	sadd.s32 s19, s18  }
0x9c: {  	s6 =	simm.s32 $0x0;
	s20 =	sshll.u32 s4, $0x1;
	s4 =	sadd.s32 s21, s2  }
0x9d: {  	[timem:s6], [sflag:s22] =	dma.local [hbm:s4], s20  }
0x9e: {  	_ =	swait.ge [sflag:s22], s20  }
0x9f: {  	s3 =	ssub.s32 $0x0, s20;
	[sflag:s22] =	ssyncset.done $0x0  }
0xa0: {  	[sflag:s22] =	ssyncadd.s32 s3;
	_ =	sdelay $0x1  }
0xa1: {  	s23 =	simm.s32 $0x1B8B  }
0xa2: {  	_ =	swait.ge [sflag:s23], $0x1  }
0xa3: {  	[sflag:s23] =	ssyncset.done $0x0  }
0xa4: {  	s25 =	simm.s32 $0x1B8E;
	s24 =	sld [smem:$0x3FFE];
	[sflag:s23] =	ssyncadd.s32 $0xFFFFFFFF  }
0xa5: {  	s26 =	simm.s32 $execute0_lowered;
	[smem:$0x3FD2] =	sst s25  }
0xa6: {  	s4 =	sshll.u32 s26, $0x1;
	_ =	strace $0x80000046;
	[dreg:$0x1] =	wrdreg $0xFFFFFFFF  }
0xa7: {  	s28 =	simm.s32 $_size_execute0_lowered;
	s2 =	sadd.s32 s2, s4;
	[dreg:$0x0] =	wrdreg $0x0  }
0xa8: {  	s4 =	sshll.u32 s28, $0x1;
	[dreg:$0x2] =	wrdreg s2  }
0xa9: {  	[dreg:$0x3] =	wrdreg s4  }
0xaa: {  	[dreg:$0x4] =	wrdreg $0xC0  }
0xab: {  	_ =	task [dreg:s6], $0x5FFFF  }
0xac: {  	[dreg:$0x1] =	wrdreg $0xFFFFFFFF  }
0xad: {  	[dreg:$0x0] =	wrdreg $0x60  }
0xae: {  	[dreg:$0x2] =	wrdreg s24  }
0xaf: {  	[dreg:$0x3] =	wrdreg $0x9  }
0xb0: {  	_ =	task.clear_ibuf [dreg:s6], $0x4FFFF;
	_ =	strace $0x90000046  }
0xb1: {  	s29 =	simm.s32 $0x9;
	_ =	strace $0x80000048  }
0xb2: {  	_ =	swait.ge [sflag:s29], $0x1  }
0xb3: {  	[sflag:s29] =	ssyncadd.s32 $0xFFFFFFFF  }
0xb4: {  	_ =	strace $0x90000048  }
0xb5: {  	_ =	sfence  }
0xb6: {  	s30 =	sld [smem:$0x0];
	_ =	sdelay $0x2  }
0xb7: {  	s31 =	sshll.u32 s1, $0xD;
	s1 =	sshrl.u32 s1, $0x2  }
0xb8: {  	s3 =	sand.u32 $0x4000, s31;
	s1 =	sadd.s32 s1, s30  }
0xb9: {  	s0 =	sor.u32 s3, s0;
	s1 =	sshll.u32 s1, $0x11  }
0xba: {  	s0 =	sor.u32 s1, s0  }
0xbb: {  	s0 =	sadd.s32 $0x8F2B, s0  }
0xbc: {  	[sflag:s0] =	ssyncadd.remote.s32 $0x1  }
0xbd: {  	_ =	sfence.sel $0xFFFF  }
0xbe: {  	[dreg:$0x0] =	wrdreg $0xFFFFFFFF;
	(pc) =	sbr.abs _section_cstart, $3  }
0xbf: {  	[dreg:$0x1] =	wrdreg $0xFFFFFFFF  }
0xc0: {  	_ =	task.clear_ibuf [dreg:s6], $0x2FFFF;
	_ =	strace $0x9FFFFFFF  }
0xc1: {  	(tm) =	ssettm $0x7FFFFFFF  }
tec
execute0_lowered:
.L_overlay_start_1:
0x0: {  	(tag) =	ssettag $0x1  }
0x1: {  	s4 =	rddreg [dreg:$0x0]  }
0x2: {  	s0 =	rddreg [dreg:$0x1];
	s2 =	simm.s32 $0x0;
	s3 =	srdreg.scid  }
0x3: {  	s1 =	stileid.u32;
	s10 =	simm.s32 $0x80;
	s11 =	simm.s32 $0x400  }
0x4: {  	s12 =	simm.s32 $0x1;
	s13 =	simm.s32 $0x18700;
	s14 =	simm.s32 $0x18780  }
0x5: {  	s15 =	simm.s32 $0x18800;
	s16 =	simm.s32 $0x18880;
	s17 =	simm.s32 $0x0  }
0x6: {  	[smem:$0x7FF] =	sst s2;
	s3 =	sand.u32 $0x1, s3;
	s5 =	sshll.u32 s1, $0x1  }
0x7: {  	_ =	strace $0x80000047;
	s5 =	sor.u32 s3, s5;
	s7 =	ssub.s32 $0x2, s3  }
0x8: {  	s6 =	sshll.u32 s5, $0x4;
	s5 =	smul.u32 $0xC3800, s5;
	s9 =	sshrl.u32 s7, $0x1  }
0x9: {  	s3 =	sadd.s32 $0x1000, s4;
	s8 =	sadd.s32 s6, s4;
	s9 =	ssub.s32 s7, s9  }
0xa: {  	s4 =	sadd.s32 $0x4950000, s5;
	s5 =	sadd.s32 $0xC39000, s8;
	s6 =	sadd.s32 $0xC39200, s8  }
0xb: {  	s7 =	sadd.s32 $0xC39400, s8;
	s8 =	sadd.s32 $0xC39600, s8;
	s9 =	smax.u32 s9, $0x1  }
.LBB2_1:
0xc: {  	s18 =	simm.s32 $0x0  }
.LBB2_2:
0xd: {  	s19 =	sshll.u32 s18, $0x7  }
0xe: {  	s19 =	sadd.s32 s4, s19  }
0xf: {  	s19 =	sshrl.u32 s19, $0x3  }
0x10: {  	s21 =	simm.s32 $0x0;
	s19 =	sadd.s32 s3, s19  }
0x11: {  	[tilespmem:s21], [sflag:$0x1] =	stream.strided.gather [hbm4b:s19+s10], $0x18700, s11, s10, $0x38;
	[tilespmem:$0x18900] =	vst v63  }
0x12: {  	_ =	swait.ge [sflag:s12], $0x18700  }
0x13: {  	[sflag:s12] =	ssyncset.done $0x0  }
0x14: {  	s20 =	simm.s32 $0xC0;
	[sflag:s12] =	ssyncadd.s32 $0xFFFE7900  }
0x15: {  	v0 =	vld [tilespmem:s20+$0xFFFFFF40];
	_ =	sdelay $0x1  }
0x16: {  	v2 =	vld [tilespmem:s20+$0xFFFFFF50];
	_ =	sdelay $0x1  }
0x17: {  	v1 =	vimm.f32 $0.0e+00;
	v3 =	vld [tilespmem:s20+$0xFFFFFF60]  }
0x18: {  	v4 =	vadd.f32 v0, v1  }
0x19: {  	v5 =	vld [tilespmem:s20+$0xFFFFFF70]  }
0x1a: {  	v4 =	vadd.f32 v2, v4  }
0x1b: {  	v6 =	vld [tilespmem:s20+$0xFFFFFF80]  }
0x1c: {  	v4 =	vadd.f32 v3, v4  }
0x1d: {  	v7 =	vld [tilespmem:s20+$0xFFFFFF90]  }
0x1e: {  	v4 =	vadd.f32 v5, v4  }
0x1f: {  	v8 =	vld [tilespmem:s20+$0xFFFFFFA0]  }
0x20: {  	v4 =	vadd.f32 v6, v4  }
0x21: {  	v9 =	vld [tilespmem:s20+$0xFFFFFFB0]  }
0x22: {  	s21 =	sand.u32 $0x1FFF0, s21;
	v4 =	vadd.f32 v7, v4  }
0x23: {  	v10 =	vld [tilespmem:s21+$0x80]  }
0x24: {  	v4 =	vadd.f32 v8, v4  }
0x25: {  	v11 =	vld [tilespmem:s20+$0xFFFFFFD0]  }
0x26: {  	v4 =	vadd.f32 v9, v4  }
0x27: {  	v12 =	vld [tilespmem:s20+$0xFFFFFFE0]  }
0x28: {  	v4 =	vadd.f32 v10, v4  }
0x29: {  	v13 =	vld [tilespmem:s20+$0xFFFFFFF0]  }
0x2a: {  	v4 =	vadd.f32 v11, v4  }
0x2b: {  	v14 =	vld [tilespmem:s20+$0x0]  }
0x2c: {  	v4 =	vadd.f32 v12, v4  }
0x2d: {  	v15 =	vld [tilespmem:s20+$0x10]  }
0x2e: {  	v4 =	vadd.f32 v13, v4  }
0x2f: {  	v16 =	vimm.f32 $-Inf;
	v17 =	vld [tilespmem:s20+$0x20]  }
0x30: {  	v0 =	vmax.f32 v16, v0;
	v4 =	vadd.f32 v14, v4  }
0x31: {  	v0 =	vmax.f32 v0, v2;
	v2 =	vld [tilespmem:s20+$0x30]  }
0x32: {  	v0 =	vmax.f32 v0, v3;
	v3 =	vadd.f32 v15, v4  }
0x33: {  	v0 =	vmax.f32 v0, v5;
	v4 =	vld [tilespmem:s21+$0x100]  }
0x34: {  	v0 =	vmax.f32 v0, v6;
	v3 =	vadd.f32 v17, v3  }
0x35: {  	v0 =	vmax.f32 v0, v7;
	v6 =	vld [tilespmem:s20+$0x50]  }
0x36: {  	v0 =	vmax.f32 v0, v8;
	v3 =	vadd.f32 v2, v3  }
0x37: {  	v0 =	vmax.f32 v0, v9;
	v7 =	vld [tilespmem:s20+$0x60]  }
0x38: {  	v0 =	vmax.f32 v0, v10;
	v3 =	vadd.f32 v4, v3  }
0x39: {  	v0 =	vmax.f32 v0, v11;
	v8 =	vld [tilespmem:s20+$0x70]  }
0x3a: {  	v0 =	vmax.f32 v0, v12;
	v3 =	vadd.f32 v6, v3  }
0x3b: {  	v62 =	vld [tilespmem:s20+$0x80];
	v0 =	vmax.f32 v0, v13  }
0x3c: {  	v0 =	vmax.f32 v0, v14;
	v3 =	vadd.f32 v7, v3  }
0x3d: {  	v63 =	vld [tilespmem:s20+$0x90];
	v0 =	vmax.f32 v0, v15  }
0x3e: {  	v0 =	vmax.f32 v0, v17;
	v3 =	vadd.f32 v8, v3  }
0x3f: {  	v5 =	vld [tilespmem:s20+$0xA0];
	v0 =	vmax.f32 v0, v2  }
0x40: {  	v0 =	vmax.f32 v0, v4;
	v3 =	vadd.f32 v62, v3  }
0x41: {  	v2 =	vld [tilespmem:s20+$0xB0];
	v0 =	vmax.f32 v0, v6  }
0x42: {  	v0 =	vmax.f32 v0, v7;
	v4 =	vadd.f32 v63, v3  }
0x43: {  	v0 =	vmax.f32 v0, v8;
	v3 =	vld [tilespmem:s21+$0x180]  }
0x44: {  	s22 =	simm.s32 $0x250;
	v6 =	vmax.f32 v0, v62;
	v4 =	vadd.f32 v5, v4  }
0x45: {  	s24 =	simm.s32 $0x320;
	s23 =	simm.s32 $0x190;
	s19 =	simm.s32 $0x190;
	v0 =	vld [tilespmem:s22+$0xFFFFFF40];
	v6 =	vmax.f32 v6, v63  }
.LBB2_3:
0x46: {  	p0 =	sne.s32 s24, $0x18510;
	v5 =	vmax.f32 v6, v5;
	v4 =	vadd.f32 v2, v4  }
0x47: {  	v6 =	vld [tilespmem:s22+$0xFFFFFF50];
	v2 =	vmax.f32 v5, v2  }
0x48: {  	v2 =	vmax.f32 v2, v3;
	v3 =	vadd.f32 v3, v4  }
0x49: {  	v4 =	vld [tilespmem:s22+$0xFFFFFF60]  }
0x4a: {  	v3 =	vadd.f32 v0, v3  }
0x4b: {  	v5 =	vld [tilespmem:s22+$0xFFFFFF70]  }
0x4c: {  	v3 =	vadd.f32 v6, v3  }
0x4d: {  	v7 =	vld [tilespmem:s22+$0xFFFFFF80]  }
0x4e: {  	v3 =	vadd.f32 v4, v3  }
0x4f: {  	v8 =	vld [tilespmem:s22+$0xFFFFFF90]  }
0x50: {  	v3 =	vadd.f32 v5, v3  }
0x51: {  	v9 =	vld [tilespmem:s22+$0xFFFFFFA0]  }
0x52: {  	v3 =	vadd.f32 v7, v3  }
0x53: {  	v10 =	vld [tilespmem:s22+$0xFFFFFFB0]  }
0x54: {  	s25 =	sand.u32 $0x1FFF0, s23;
	s23 =	smov.u32 s24;
	v3 =	vadd.f32 v8, v3  }
0x55: {  	v11 =	vld [tilespmem:s25+$0x80]  }
0x56: {  	v3 =	vadd.f32 v9, v3  }
0x57: {  	v12 =	vld [tilespmem:s22+$0xFFFFFFD0]  }
0x58: {  	v3 =	vadd.f32 v10, v3  }
0x59: {  	v13 =	vld [tilespmem:s22+$0xFFFFFFE0]  }
0x5a: {  	v3 =	vadd.f32 v11, v3  }
0x5b: {  	v14 =	vld [tilespmem:s22+$0xFFFFFFF0]  }
0x5c: {  	v3 =	vadd.f32 v12, v3  }
0x5d: {  	v15 =	vld [tilespmem:s22+$0x0]  }
0x5e: {  	v3 =	vadd.f32 v13, v3  }
0x5f: {  	v16 =	vld [tilespmem:s22+$0x10]  }
0x60: {  	v3 =	vadd.f32 v14, v3  }
0x61: {  	v17 =	vld [tilespmem:s22+$0x20]  }
0x62: {  	v0 =	vmax.f32 v2, v0;
	v2 =	vadd.f32 v15, v3  }
0x63: {  	v0 =	vmax.f32 v0, v6;
	v3 =	vld [tilespmem:s22+$0x30]  }
0x64: {  	v0 =	vmax.f32 v0, v4;
	v2 =	vadd.f32 v16, v2  }
0x65: {  	v0 =	vmax.f32 v0, v5;
	v4 =	vld [tilespmem:s25+$0x100]  }
0x66: {  	v0 =	vmax.f32 v0, v7;
	v2 =	vadd.f32 v17, v2  }
0x67: {  	v0 =	vmax.f32 v0, v8;
	v6 =	vld [tilespmem:s22+$0x50]  }
0x68: {  	v0 =	vmax.f32 v0, v9;
	v2 =	vadd.f32 v3, v2  }
0x69: {  	v0 =	vmax.f32 v0, v10;
	v7 =	vld [tilespmem:s22+$0x60]  }
0x6a: {  	v0 =	vmax.f32 v0, v11;
	v2 =	vadd.f32 v4, v2  }
0x6b: {  	v0 =	vmax.f32 v0, v12;
	v8 =	vld [tilespmem:s22+$0x70]  }
0x6c: {  	v0 =	vmax.f32 v0, v13;
	v2 =	vadd.f32 v6, v2  }
0x6d: {  	v0 =	vmax.f32 v0, v14;
	v9 =	vld [tilespmem:s22+$0x80]  }
0x6e: {  	v0 =	vmax.f32 v0, v15;
	v2 =	vadd.f32 v7, v2  }
0x6f: {  	v0 =	vmax.f32 v0, v16;
	v10 =	vld [tilespmem:s22+$0x90]  }
0x70: {  	v0 =	vmax.f32 v0, v17;
	v2 =	vadd.f32 v8, v2  }
0x71: {  	v0 =	vmax.f32 v0, v3;
	v5 =	vld [tilespmem:s22+$0xA0]  }
0x72: {  	v0 =	vmax.f32 v0, v4;
	v3 =	vadd.f32 v9, v2  }
.Ltmp0:
0x73: {  	v0 =	vmax.f32 v0, v6;
	v2 =	vld [tilespmem:s22+$0xB0];
	(pc) =	sbr.rel @p0 .LBB2_3-.Ltmp0, $4  }
0x74: {  	v0 =	vmax.f32 v0, v7;
	v4 =	vadd.f32 v10, v3  }
0x75: {  	v0 =	vmax.f32 v0, v8;
	v3 =	vld [tilespmem:s25+$0x180]  }
0x76: {  	v6 =	vmax.f32 v0, v9;
	s22 =	sadd.s32 $0x190, s22;
	v4 =	vadd.f32 v5, v4  }
0x77: {  	s24 =	sadd.s32 $0x190, s24;
	v6 =	vmax.f32 v6, v10;
	v0 =	vld [tilespmem:s22+$0xFFFFFF40]  }
0x78: {  	v7 =	vld [tilespmem:s22+$0xFFFFFF50]  }
0x79: {  	v5 =	vmax.f32 v6, v5;
	v6 =	vld [tilespmem:s22+$0xFFFFFF60]  }
0x7a: {  	v8 =	vld [tilespmem:s22+$0xFFFFFF70];
	v5 =	vmax.f32 v5, v2  }
0x7b: {  	v9 =	vld [tilespmem:s22+$0xFFFFFF80];
	v5 =	vmax.f32 v5, v3  }
0x7c: {  	v10 =	vld [tilespmem:s22+$0xFFFFFF90];
	v5 =	vmax.f32 v5, v0  }
0x7d: {  	v11 =	vld [tilespmem:s22+$0xFFFFFFA0];
	v5 =	vmax.f32 v5, v7  }
0x7e: {  	v12 =	vld [tilespmem:s22+$0xFFFFFFB0];
	s23 =	sand.u32 $0x1FFF0, s23;
	v5 =	vmax.f32 v5, v6  }
0x7f: {  	v13 =	vld [tilespmem:s23+$0x80];
	v5 =	vmax.f32 v5, v8  }
0x80: {  	v14 =	vld [tilespmem:s22+$0xFFFFFFD0];
	v5 =	vmax.f32 v5, v9  }
0x81: {  	v15 =	vld [tilespmem:s22+$0xFFFFFFE0];
	v5 =	vmax.f32 v5, v10  }
0x82: {  	v16 =	vld [tilespmem:s22+$0xFFFFFFF0];
	v5 =	vmax.f32 v5, v11  }
0x83: {  	v17 =	vld [tilespmem:s22+$0x0];
	v5 =	vmax.f32 v5, v12  }
0x84: {  	v18 =	vld [tilespmem:s22+$0x10];
	v5 =	vmax.f32 v5, v13  }
0x85: {  	v19 =	vld [tilespmem:s22+$0x20];
	v5 =	vmax.f32 v5, v14  }
0x86: {  	v20 =	vld [tilespmem:s22+$0x30];
	v5 =	vmax.f32 v5, v15  }
0x87: {  	v21 =	vld [tilespmem:s23+$0x100];
	v5 =	vmax.f32 v5, v16  }
0x88: {  	v22 =	vld [tilespmem:s22+$0x50];
	v5 =	vmax.f32 v5, v17  }
0x89: {  	v23 =	vld [tilespmem:s22+$0x60];
	v5 =	vmax.f32 v5, v18  }
0x8a: {  	v24 =	vld [tilespmem:s22+$0x70];
	v2 =	vadd.f32 v2, v4;
	v4 =	vmax.f32 v5, v19  }
0x8b: {  	v5 =	vld [tilespmem:s22+$0x80];
	v4 =	vmax.f32 v4, v20  }
0x8c: {  	v25 =	vld [tilespmem:s22+$0x90];
	v2 =	vadd.f32 v3, v2;
	v3 =	vmax.f32 v4, v21  }
0x8d: {  	v4 =	vld [tilespmem:s22+$0xA0];
	v26 =	vmax.f32 v3, v22  }
0x8e: {  	v0 =	vadd.f32 v0, v2;
	v3 =	vld [tilespmem:s22+$0xB0];
	v2 =	vmax.f32 v26, v23  }
0x8f: {  	v26 =	vmax.f32 v2, v24;
	v2 =	vld [tilespmem:s23+$0x180]  }
0x90: {  	v0 =	vadd.f32 v7, v0;
	v7 =	vmax.f32 v26, v5  }
0x91: {  	v60 =	vld [tilespmem:s20+$0xFFFFFF40];
	v7 =	vmax.f32 v7, v25  }
0x92: {  	v0 =	vadd.f32 v6, v0;
	v6 =	vmax.f32 v7, v4;
	v7 =	vld [tilespmem:s20+$0xFFFFFF50]  }
0x93: {  	v6 =	vmax.f32 v6, v3  }
0x94: {  	v8 =	vadd.f32 v8, v0;
	v0 =	vmax.f32 v6, v2;
	v6 =	vld [tilespmem:s20+$0xFFFFFF60];
	_ =	sdelay $0x1  }
0x95: {  	v8 =	vadd.f32 v9, v8;
	v26 =	vsub.f32 v60, v0  }
0x96: {  	v9 =	vld [tilespmem:s20+$0xFFFFFF70];
	v7 =	vsub.f32 v7, v0  }
0x97: {  	v8 =	vadd.f32 v10, v8;
	v10 =	vld [tilespmem:s20+$0xFFFFFF80];
	v26 =	vmul.f32 $1.442695020e+00, v26  }
0x98: {  	v6 =	vsub.f32 v6, v0;
	v7 =	vmul.f32 $1.442695020e+00, v7  }
0x99: {  	(erf) = vpow2.f32 v26  }
0x9a: {  	(erf) = vpow2.f32 v7;
	v7 =	vld [tilespmem:s20+$0xFFFFFF90];
	v6 =	vmul.f32 $1.442695020e+00, v6  }
0x9b: {  	v8 =	vadd.f32 v11, v8;
	v9 =	vsub.f32 v9, v0  }
0x9c: {  	v10 =	vsub.f32 v10, v0;
	(erf) = vpow2.f32 v6;
	v6 =	vld [tilespmem:s20+$0xFFFFFFA0]  }
0x9d: {  	v8 =	vadd.f32 v12, v8;
	v9 =	vmul.f32 $1.442695020e+00, v9  }
0x9e: {  	v10 =	vmul.f32 $1.442695020e+00, v10  }
0x9f: {  	v8 =	vadd.f32 v13, v8;
	(erf) = vpow2.f32 v9;
	v9 =	vld [tilespmem:s20+$0xFFFFFFB0];
	v7 =	vsub.f32 v7, v0;
	_ =	sdelay $0x1  }
0xa0: {  	v11 =	vld [tilespmem:s21+$0x80];
	v8 =	vadd.f32 v14, v8;
	v6 =	vsub.f32 v6, v0;
	v7 =	vmul.f32 $1.442695020e+00, v7  }
0xa1: {  	(erf) = vpow2.f32 v10;
	v10 =	vpop (erf)  }
0xa2: {  	v8 =	vadd.f32 v15, v8;
	v1 =	vadd.f32 v10, v1;
	v10 =	vld [tilespmem:s20+$0xFFFFFFD0];
	v6 =	vmul.f32 $1.442695020e+00, v6  }
0xa3: {  	v9 =	vsub.f32 v9, v0  }
0xa4: {  	v8 =	vadd.f32 v16, v8;
	(erf) = vpow2.f32 v7;
	v7 =	vpop (erf)  }
0xa5: {  	v11 =	vsub.f32 v11, v0;
	v9 =	vmul.f32 $1.442695020e+00, v9;
	v1 =	vadd.f32 v7, v1  }
0xa6: {  	v8 =	vadd.f32 v17, v8;
	(erf) = vpow2.f32 v6;
	v7 =	vld [tilespmem:s20+$0xFFFFFFE0];
	v6 =	vpop (erf)  }
0xa7: {  	v1 =	vadd.f32 v6, v1;
	v6 =	vsub.f32 v10, v0;
	v10 =	vmul.f32 $1.442695020e+00, v11  }
0xa8: {  	v61 =	vld [tilespmem:s20+$0xFFFFFFF0];
	v8 =	vadd.f32 v18, v8  }
0xa9: {  	(erf) = vpow2.f32 v9;
	v9 =	vpop (erf)  }
0xaa: {  	v8 =	vadd.f32 v19, v8;
	v11 =	vld [tilespmem:s20+$0x0];
	v1 =	vadd.f32 v9, v1  }
0xab: {  	v6 =	vmul.f32 $1.442695020e+00, v6;
	v9 =	vld [tilespmem:s20+$0x10];
	(erf) = vpow2.f32 v10;
	v7 =	vsub.f32 v7, v0;
	v10 =	vpop (erf)  }
0xac: {  	v8 =	vadd.f32 v20, v8;
	v1 =	vadd.f32 v10, v1  }
0xad: {  	(erf) = vpow2.f32 v6;
	v6 =	vld [tilespmem:s20+$0x20];
	v10 =	vsub.f32 v61, v0;
	v7 =	vmul.f32 $1.442695020e+00, v7;
	v62 =	vpop (erf)  }
0xae: {  	v1 =	vadd.f32 v62, v1  }
0xaf: {  	v10 =	vmul.f32 $1.442695020e+00, v10;
	(erf) = vpow2.f32 v7;
	v7 =	vadd.f32 v21, v8  }
0xb0: {  	v63 =	vld [tilespmem:s20+$0x30];
	v11 =	vsub.f32 v11, v0;
	v8 =	vsub.f32 v9, v0;
	v9 =	vpop (erf)  }
0xb1: {  	v1 =	vadd.f32 v9, v1;
	v7 =	vadd.f32 v22, v7  }
0xb2: {  	v9 =	vmul.f32 $1.442695020e+00, v11;
	(erf) = vpow2.f32 v10;
	v6 =	vsub.f32 v6, v0  }
0xb3: {  	v11 =	vld [tilespmem:s21+$0x100];
	v8 =	vmul.f32 $1.442695020e+00, v8;
	v10 =	vpop (erf);
	v7 =	vadd.f32 v23, v7  }
0xb4: {  	(erf) = vpow2.f32 v9;
	v6 =	vmul.f32 $1.442695020e+00, v6;
	v1 =	vadd.f32 v10, v1  }
0xb5: {  	v9 =	vsub.f32 v63, v0;
	v10 =	vpop (erf);
	(erf) = vpow2.f32 v8;
	v7 =	vadd.f32 v24, v7  }
0xb6: {  	v1 =	vadd.f32 v10, v1;
	v10 =	vpop (erf);
	(erf) = vpow2.f32 v6;
	v6 =	vld [tilespmem:s20+$0x50]  }
0xb7: {  	v9 =	vmul.f32 $1.442695020e+00, v9;
	v5 =	vadd.f32 v5, v7  }
0xb8: {  	v8 =	vsub.f32 v11, v0;
	v1 =	vadd.f32 v10, v1  }
0xb9: {  	v10 =	vld [tilespmem:s20+$0x60];
	v7 =	vpop (erf);
	v5 =	vadd.f32 v25, v5  }
0xba: {  	v1 =	vadd.f32 v7, v1;
	v7 =	vmul.f32 $1.442695020e+00, v8;
	v8 =	vld [tilespmem:s20+$0x70]  }
0xbb: {  	(erf) = vpow2.f32 v9;
	v9 =	vpop (erf);
	v4 =	vadd.f32 v4, v5;
	v6 =	vsub.f32 v6, v0  }
0xbc: {  	v1 =	vadd.f32 v9, v1  }
0xbd: {  	v11 =	vld [tilespmem:s20+$0x80];
	v5 =	vpop (erf);
	v3 =	vadd.f32 v3, v4;
	v6 =	vmul.f32 $1.442695020e+00, v6  }
0xbe: {  	(erf) = vpow2.f32 v7;
	v4 =	vsub.f32 v10, v0;
	v1 =	vadd.f32 v5, v1  }
0xbf: {  	v7 =	vld [tilespmem:s20+$0x90];
	v9 =	vpop (erf);
	v8 =	vsub.f32 v8, v0;
	(erf) = vpow2.f32 v6  }
0xc0: {  	v5 =	vld [tilespmem:s20+$0xA0];
	v9 =	vadd.f32 v9, v1;
	v1 =	vadd.f32 v2, v3;
	v2 =	vmul.f32 $1.442695020e+00, v4;
	_ =	sdelay $0x1  }
0xc1: {  	v10 =	vld [tilespmem:s20+$0xB0];
	v3 =	vsub.f32 v11, v0;
	v4 =	vpop (erf);
	v6 =	vmul.f32 $1.442695020e+00, v8;
	(erf) = vpow2.f32 v2  }
0xc2: {  	v8 =	vadd.f32 v4, v9  }
0xc3: {  	v9 =	vsub.f32 v7, v0;
	v11 =	vmul.f32 $1.442695020e+00, v3;
	v3 =	vld [tilespmem:s21+$0x180];
	v2 =	vpop (erf);
	(erf) = vpow2.f32 v6  }
0xc4: {  	s20 =	simm.s32 $0x250;
	v4 =	vsub.f32 v5, v0  }
0xc5: {  	v6 =	vmul.f32 $1.442695020e+00, v9;
	v7 =	vadd.f32 v2, v8;
	v2 =	vld [tilespmem:s20+$0xFFFFFF40];
	(erf) = vpow2.f32 v11  }
0xc6: {  	s21 =	simm.s32 $0x320;
	v5 =	vsub.f32 v10, v0;
	v8 =	vpop (erf)  }
.LBB2_5:
0xc7: {  	p0 =	sne.s32 s21, $0x18510;
	v9 =	vld [tilespmem:s20+$0xFFFFFF50];
	v7 =	vadd.f32 v8, v7;
	v10 =	vmul.f32 $1.442695020e+00, v4;
	(erf) = vpow2.f32 v6  }
0xc8: {  	v3 =	vsub.f32 v3, v0;
	v6 =	vpop (erf)  }
0xc9: {  	v5 =	vmul.f32 $1.442695020e+00, v5;
	v8 =	vld [tilespmem:s20+$0xFFFFFF60];
	v11 =	vadd.f32 v6, v7;
	(erf) = vpow2.f32 v10  }
0xca: {  	v2 =	vsub.f32 v2, v0;
	v4 =	vpop (erf)  }
0xcb: {  	v3 =	vmul.f32 $1.442695020e+00, v3;
	v7 =	vld [tilespmem:s20+$0xFFFFFF70];
	v4 =	vadd.f32 v4, v11;
	(erf) = vpow2.f32 v5  }
0xcc: {  	v5 =	vsub.f32 v9, v0;
	v6 =	vpop (erf)  }
0xcd: {  	v2 =	vmul.f32 $1.442695020e+00, v2;
	v9 =	vld [tilespmem:s20+$0xFFFFFF80];
	v4 =	vadd.f32 v6, v4;
	(erf) = vpow2.f32 v3  }
0xce: {  	v3 =	vsub.f32 v8, v0;
	v6 =	vpop (erf)  }
0xcf: {  	v5 =	vmul.f32 $1.442695020e+00, v5;
	v8 =	vld [tilespmem:s20+$0xFFFFFF90];
	(erf) = vpow2.f32 v2;
	v2 =	vadd.f32 v6, v4  }
0xd0: {  	v4 =	vsub.f32 v7, v0;
	v6 =	vpop (erf)  }
0xd1: {  	v3 =	vmul.f32 $1.442695020e+00, v3;
	v7 =	vld [tilespmem:s20+$0xFFFFFFA0];
	(erf) = vpow2.f32 v5;
	v2 =	vadd.f32 v6, v2  }
0xd2: {  	v5 =	vsub.f32 v9, v0;
	v6 =	vpop (erf)  }
0xd3: {  	v4 =	vmul.f32 $1.442695020e+00, v4;
	v9 =	vld [tilespmem:s20+$0xFFFFFFB0];
	(erf) = vpow2.f32 v3;
	v2 =	vadd.f32 v6, v2  }
0xd4: {  	s22 =	sand.u32 $0x1FFF0, s19;
	s19 =	smov.u32 s21;
	v3 =	vsub.f32 v8, v0;
	v6 =	vpop (erf)  }
0xd5: {  	v5 =	vmul.f32 $1.442695020e+00, v5;
	v8 =	vld [tilespmem:s22+$0x80];
	(erf) = vpow2.f32 v4;
	v2 =	vadd.f32 v6, v2  }
0xd6: {  	v4 =	vsub.f32 v7, v0;
	v6 =	vpop (erf)  }
0xd7: {  	v3 =	vmul.f32 $1.442695020e+00, v3;
	v7 =	vld [tilespmem:s20+$0xFFFFFFD0];
	(erf) = vpow2.f32 v5;
	v2 =	vadd.f32 v6, v2  }
0xd8: {  	v5 =	vsub.f32 v9, v0;
	v6 =	vpop (erf)  }
0xd9: {  	v4 =	vmul.f32 $1.442695020e+00, v4;
	v2 =	vadd.f32 v6, v2;
	v6 =	vld [tilespmem:s20+$0xFFFFFFE0];
	(erf) = vpow2.f32 v3  }
0xda: {  	v3 =	vsub.f32 v8, v0;
	v8 =	vpop (erf)  }
0xdb: {  	v5 =	vmul.f32 $1.442695020e+00, v5;
	v2 =	vadd.f32 v8, v2;
	v8 =	vld [tilespmem:s20+$0xFFFFFFF0];
	(erf) = vpow2.f32 v4  }
0xdc: {  	v4 =	vsub.f32 v7, v0;
	v7 =	vpop (erf)  }
0xdd: {  	v3 =	vmul.f32 $1.442695020e+00, v3;
	v2 =	vadd.f32 v7, v2;
	v7 =	vld [tilespmem:s20+$0x0];
	(erf) = vpow2.f32 v5  }
0xde: {  	v5 =	vsub.f32 v6, v0;
	v6 =	vpop (erf)  }
0xdf: {  	v4 =	vmul.f32 $1.442695020e+00, v4;
	v2 =	vadd.f32 v6, v2;
	v6 =	vld [tilespmem:s20+$0x10];
	(erf) = vpow2.f32 v3  }
0xe0: {  	v3 =	vsub.f32 v8, v0;
	v8 =	vpop (erf)  }
0xe1: {  	v5 =	vmul.f32 $1.442695020e+00, v5;
	v2 =	vadd.f32 v8, v2;
	v8 =	vld [tilespmem:s20+$0x20];
	(erf) = vpow2.f32 v4  }
0xe2: {  	v4 =	vsub.f32 v7, v0;
	v7 =	vpop (erf)  }
0xe3: {  	v3 =	vmul.f32 $1.442695020e+00, v3;
	v2 =	vadd.f32 v7, v2;
	v7 =	vld [tilespmem:s20+$0x30];
	(erf) = vpow2.f32 v5  }
0xe4: {  	v5 =	vsub.f32 v6, v0;
	v6 =	vpop (erf)  }
0xe5: {  	v4 =	vmul.f32 $1.442695020e+00, v4;
	v2 =	vadd.f32 v6, v2;
	v6 =	vld [tilespmem:s22+$0x100];
	(erf) = vpow2.f32 v3  }
0xe6: {  	v3 =	vsub.f32 v8, v0;
	v8 =	vpop (erf)  }
0xe7: {  	v5 =	vmul.f32 $1.442695020e+00, v5;
	v2 =	vadd.f32 v8, v2;
	v8 =	vld [tilespmem:s20+$0x50];
	(erf) = vpow2.f32 v4  }
0xe8: {  	v4 =	vsub.f32 v7, v0;
	v7 =	vpop (erf)  }
0xe9: {  	v3 =	vmul.f32 $1.442695020e+00, v3;
	v2 =	vadd.f32 v7, v2;
	v7 =	vld [tilespmem:s20+$0x60];
	(erf) = vpow2.f32 v5  }
0xea: {  	v5 =	vsub.f32 v6, v0;
	v6 =	vpop (erf)  }
0xeb: {  	v4 =	vmul.f32 $1.442695020e+00, v4;
	v2 =	vadd.f32 v6, v2;
	v6 =	vld [tilespmem:s20+$0x70];
	(erf) = vpow2.f32 v3  }
0xec: {  	v3 =	vsub.f32 v8, v0;
	v8 =	vpop (erf)  }
0xed: {  	v5 =	vmul.f32 $1.442695020e+00, v5;
	v2 =	vadd.f32 v8, v2;
	v8 =	vld [tilespmem:s20+$0x80];
	(erf) = vpow2.f32 v4  }
0xee: {  	v4 =	vsub.f32 v7, v0;
	v7 =	vpop (erf)  }
0xef: {  	v3 =	vmul.f32 $1.442695020e+00, v3;
	v2 =	vadd.f32 v7, v2;
	v7 =	vld [tilespmem:s20+$0x90];
	(erf) = vpow2.f32 v5  }
0xf0: {  	v5 =	vsub.f32 v6, v0;
	v6 =	vpop (erf)  }
0xf1: {  	v10 =	vmul.f32 $1.442695020e+00, v4;
	v2 =	vadd.f32 v6, v2;
	v6 =	vld [tilespmem:s20+$0xA0];
	(erf) = vpow2.f32 v3  }
0xf2: {  	v3 =	vsub.f32 v8, v0;
	v8 =	vpop (erf)  }
0xf3: {  	v11 =	vmul.f32 $1.442695020e+00, v5;
	v2 =	vadd.f32 v8, v2;
	v8 =	vld [tilespmem:s20+$0xB0];
	(erf) = vpow2.f32 v10  }
.Ltmp1:
0xf4: {  	v9 =	vsub.f32 v7, v0;
	v4 =	vpop (erf);
	(pc) =	sbr.rel @p0 .LBB2_5-.Ltmp1, $4  }
0xf5: {  	v10 =	vmul.f32 $1.442695020e+00, v3;
	v7 =	vadd.f32 v4, v2;
	v3 =	vld [tilespmem:s22+$0x180];
	(erf) = vpow2.f32 v11  }
0xf6: {  	s20 =	sadd.s32 $0x190, s20;
	v4 =	vsub.f32 v6, v0;
	v5 =	vpop (erf)  }
0xf7: {  	v6 =	vmul.f32 $1.442695020e+00, v9;
	v2 =	vld [tilespmem:s20+$0xFFFFFF40];
	v7 =	vadd.f32 v5, v7;
	(erf) = vpow2.f32 v10  }
0xf8: {  	s21 =	sadd.s32 $0x190, s21;
	v5 =	vsub.f32 v8, v0;
	v8 =	vpop (erf)  }
0xf9: {  	v9 =	vld [tilespmem:s20+$0xFFFFFF50];
	v7 =	vadd.f32 v8, v7;
	v4 =	vmul.f32 $1.442695020e+00, v4;
	(erf) = vpow2.f32 v6  }
0xfa: {  	v3 =	vsub.f32 v3, v0;
	v35 =	vpop (erf)  }
0xfb: {  	v36 =	vld [tilespmem:s20+$0xFFFFFF60];
	v5 =	vmul.f32 $1.442695020e+00, v5;
	v6 =	vadd.f32 v35, v7;
	(erf) = vpow2.f32 v4  }
0xfc: {  	v2 =	vsub.f32 v2, v0;
	v37 =	vpop (erf)  }
0xfd: {  	v38 =	vld [tilespmem:s20+$0xFFFFFF70];
	v3 =	vmul.f32 $1.442695020e+00, v3;
	(erf) = vpow2.f32 v5;
	v4 =	vadd.f32 v37, v6  }
0xfe: {  	v39 =	vsub.f32 v9, v0;
	v40 =	vpop (erf)  }
0xff: {  	v41 =	vld [tilespmem:s20+$0xFFFFFF80];
	v2 =	vmul.f32 $1.442695020e+00, v2;
	(erf) = vpow2.f32 v3;
	v4 =	vadd.f32 v40, v4  }
0x100: {  	v42 =	vsub.f32 v36, v0;
	v43 =	vpop (erf)  }
0x101: {  	v44 =	vld [tilespmem:s20+$0xFFFFFF90];
	v5 =	vmul.f32 $1.442695020e+00, v39;
	(erf) = vpow2.f32 v2;
	v45 =	vadd.f32 v43, v4  }
0x102: {  	v46 =	vsub.f32 v38, v0;
	v47 =	vpop (erf)  }
0x103: {  	v48 =	vld [tilespmem:s20+$0xFFFFFFA0];
	v3 =	vmul.f32 $1.442695020e+00, v42;
	(erf) = vpow2.f32 v5;
	v2 =	vadd.f32 v47, v45  }
0x104: {  	v49 =	vsub.f32 v41, v0;
	v50 =	vpop (erf)  }
0x105: {  	v51 =	vld [tilespmem:s20+$0xFFFFFFB0];
	v4 =	vmul.f32 $1.442695020e+00, v46;
	(erf) = vpow2.f32 v3;
	v2 =	vadd.f32 v50, v2  }
0x106: {  	s19 =	sand.u32 $0x1FFF0, s19;
	v52 =	vsub.f32 v44, v0;
	v53 =	vpop (erf)  }
0x107: {  	v54 =	vld [tilespmem:s19+$0x80];
	v5 =	vmul.f32 $1.442695020e+00, v49;
	(erf) = vpow2.f32 v4;
	v2 =	vadd.f32 v53, v2  }
0x108: {  	v55 =	vsub.f32 v48, v0;
	v56 =	vpop (erf)  }
0x109: {  	v57 =	vld [tilespmem:s20+$0xFFFFFFD0];
	v3 =	vmul.f32 $1.442695020e+00, v52;
	(erf) = vpow2.f32 v5;
	v2 =	vadd.f32 v56, v2  }
0x10a: {  	v58 =	vsub.f32 v51, v0;
	v59 =	vpop (erf)  }
0x10b: {  	v60 =	vld [tilespmem:s20+$0xFFFFFFE0];
	v4 =	vmul.f32 $1.442695020e+00, v55;
	(erf) = vpow2.f32 v3;
	v2 =	vadd.f32 v59, v2  }
0x10c: {  	v61 =	vsub.f32 v54, v0;
	v62 =	vpop (erf)  }
0x10d: {  	v63 =	vld [tilespmem:s20+$0xFFFFFFF0];
	v5 =	vmul.f32 $1.442695020e+00, v58;
	(erf) = vpow2.f32 v4;
	v2 =	vadd.f32 v62, v2  }
0x10e: {  	v12 =	vsub.f32 v57, v0;
	v13 =	vpop (erf)  }
0x10f: {  	v14 =	vld [tilespmem:s20+$0x0];
	v3 =	vmul.f32 $1.442695020e+00, v61;
	(erf) = vpow2.f32 v5;
	v2 =	vadd.f32 v13, v2  }
0x110: {  	v15 =	vsub.f32 v60, v0;
	v16 =	vpop (erf)  }
0x111: {  	v17 =	vld [tilespmem:s20+$0x10];
	v4 =	vmul.f32 $1.442695020e+00, v12;
	(erf) = vpow2.f32 v3;
	v2 =	vadd.f32 v16, v2  }
0x112: {  	v18 =	vsub.f32 v63, v0;
	v19 =	vpop (erf)  }
0x113: {  	v20 =	vld [tilespmem:s20+$0x20];
	v5 =	vmul.f32 $1.442695020e+00, v15;
	(erf) = vpow2.f32 v4;
	v2 =	vadd.f32 v19, v2  }
0x114: {  	v21 =	vsub.f32 v14, v0;
	v22 =	vpop (erf)  }
0x115: {  	v23 =	vld [tilespmem:s20+$0x30];
	v3 =	vmul.f32 $1.442695020e+00, v18;
	(erf) = vpow2.f32 v5;
	v2 =	vadd.f32 v22, v2  }
0x116: {  	v24 =	vsub.f32 v17, v0;
	v25 =	vpop (erf)  }
0x117: {  	v26 =	vld [tilespmem:s19+$0x100];
	v4 =	vmul.f32 $1.442695020e+00, v21;
	(erf) = vpow2.f32 v3;
	v2 =	vadd.f32 v25, v2  }
0x118: {  	v27 =	vsub.f32 v20, v0;
	v28 =	vpop (erf)  }
0x119: {  	v29 =	vld [tilespmem:s20+$0x50];
	v5 =	vmul.f32 $1.442695020e+00, v24;
	(erf) = vpow2.f32 v4;
	v2 =	vadd.f32 v28, v2  }
0x11a: {  	v30 =	vsub.f32 v23, v0;
	v31 =	vpop (erf)  }
0x11b: {  	v32 =	vld [tilespmem:s20+$0x60];
	v3 =	vmul.f32 $1.442695020e+00, v27;
	(erf) = vpow2.f32 v5;
	v2 =	vadd.f32 v31, v2  }
0x11c: {  	v33 =	vsub.f32 v26, v0;
	v34 =	vpop (erf)  }
0x11d: {  	v35 =	vld [tilespmem:s20+$0x70];
	v4 =	vmul.f32 $1.442695020e+00, v30;
	(erf) = vpow2.f32 v3;
	v2 =	vadd.f32 v34, v2  }
0x11e: {  	v36 =	vsub.f32 v29, v0;
	v37 =	vpop (erf)  }
0x11f: {  	v38 =	vld [tilespmem:s20+$0x80];
	v5 =	vmul.f32 $1.442695020e+00, v33;
	(erf) = vpow2.f32 v4;
	v2 =	vadd.f32 v37, v2  }
0x120: {  	v39 =	vsub.f32 v32, v0;
	v40 =	vpop (erf)  }
0x121: {  	v41 =	vld [tilespmem:s20+$0x90];
	v3 =	vmul.f32 $1.442695020e+00, v36;
	(erf) = vpow2.f32 v5;
	v2 =	vadd.f32 v40, v2  }
0x122: {  	v42 =	vsub.f32 v35, v0;
	v43 =	vpop (erf)  }
0x123: {  	v44 =	vld [tilespmem:s20+$0xA0];
	v4 =	vmul.f32 $1.442695020e+00, v39;
	(erf) = vpow2.f32 v3;
	v2 =	vadd.f32 v43, v2  }
0x124: {  	v45 =	vsub.f32 v38, v0;
	v46 =	vpop (erf)  }
0x125: {  	v47 =	vld [tilespmem:s20+$0xB0];
	v5 =	vmul.f32 $1.442695020e+00, v42;
	(erf) = vpow2.f32 v4;
	v2 =	vadd.f32 v46, v2  }
0x126: {  	v48 =	vsub.f32 v41, v0;
	v49 =	vpop (erf)  }
0x127: {  	v50 =	vld [tilespmem:s19+$0x180];
	v3 =	vmul.f32 $1.442695020e+00, v45;
	(erf) = vpow2.f32 v5;
	v2 =	vadd.f32 v49, v2  }
0x128: {  	v51 =	vsub.f32 v44, v0;
	v52 =	vpop (erf)  }
0x129: {  	v4 =	vmul.f32 $1.442695020e+00, v48;
	(erf) = vpow2.f32 v3;
	v2 =	vadd.f32 v52, v2  }
0x12a: {  	v53 =	vsub.f32 v47, v0;
	v54 =	vpop (erf)  }
0x12b: {  	v5 =	vmul.f32 $1.442695020e+00, v51;
	(erf) = vpow2.f32 v4;
	v2 =	vadd.f32 v54, v2  }
0x12c: {  	v55 =	vsub.f32 v50, v0;
	v56 =	vpop (erf)  }
0x12d: {  	v3 =	vmul.f32 $1.442695020e+00, v53;
	(erf) = vpow2.f32 v5;
	v2 =	vadd.f32 v56, v2  }
0x12e: {  	v57 =	vpop (erf)  }
0x12f: {  	v4 =	vmul.f32 $1.442695020e+00, v55;
	(erf) = vpow2.f32 v3;
	v2 =	vadd.f32 v57, v2  }
0x130: {  	v58 =	vpop (erf)  }
0x131: {  	(erf) = vpow2.f32 v4;
	v2 =	vadd.f32 v58, v2  }
0x132: {  	v59 =	vpop (erf)  }
0x133: {  	v2 =	vadd.f32 v59, v2  }
0x134: {  	v60 =	vpop (erf)  }
0x135: {  	v2 =	vadd.f32 v60, v2  }
0x136: {  	v61 =	vpop (erf)  }
0x137: {  	v2 =	vadd.f32 v61, v2  }
0x138: {  	v62 =	vpop (erf)  }
0x139: {  	v2 =	vadd.f32 v62, v2  }
0x13a: {  	s31 =	sshll.u32 s18, $0x4;
	v63 =	vpop (erf)  }
0x13b: {  	[tilespmem:s31+$0x18700] =	vst v0;
	v2 =	vadd.f32 v63, v2  }
0x13c: {  	[tilespmem:s31+$0x18780] =	vst v1  }
0x13d: {  	s18 =	sadd.s32 $0x1, s18;
	[tilespmem:s31+$0x18800] =	vst v2  }
0x13e: {  	p0 =	sne.s32 s18, $0x8;
	v0 =	vld [tilespmem:$0x0]  }
.Ltmp2:
0x13f: {  	_ = 	snop;
	(pc) =	sbr.rel @p0 .LBB2_2-.Ltmp2, $2  }
0x140: {  	_ =	sdelay $0x2  }
0x141: {  	[tilespmem:s31+$0x18880] =	vst v0  }
0x142: {  	[hbm4b:s5+s2] =	stream.linear.scatter [tilespmem:s13], [sflag:$0x1], $0x80, $0x38;
	[tilespmem:$0x18900] =	vst v63  }
0x143: {  	_ =	swait.ge [sflag:s12], $0x80  }
0x144: {  	[sflag:s12] =	ssyncset.done $0x0  }
0x145: {  	[sflag:s12] =	ssyncadd.s32 $0xFFFFFF80  }
0x146: {  	[hbm4b:s6+s2] =	stream.linear.scatter [tilespmem:s14], [sflag:$0x1], $0x80, $0x38;
	[tilespmem:$0x18900] =	vst v63  }
0x147: {  	_ =	swait.ge [sflag:s12], $0x80  }
0x148: {  	[sflag:s12] =	ssyncset.done $0x0  }
0x149: {  	[sflag:s12] =	ssyncadd.s32 $0xFFFFFF80  }
0x14a: {  	[hbm4b:s7+s2] =	stream.linear.scatter [tilespmem:s15], [sflag:$0x1], $0x80, $0x38;
	[tilespmem:$0x18900] =	vst v63  }
0x14b: {  	s17 =	sadd.s32 $0x1, s17;
	_ =	swait.ge [sflag:s12], $0x80  }
0x14c: {  	p0 =	sne.s32 s17, s9;
	[sflag:s12] =	ssyncset.done $0x0  }
.Ltmp3:
0x14d: {  	[sflag:s12] =	ssyncadd.s32 $0xFFFFFF80;
	(pc) =	sbr.rel @p0 .LBB2_1-.Ltmp3, $4  }
0x14e: {  	[hbm4b:s8+s2] =	stream.linear.scatter [tilespmem:s16], [sflag:$0x1], $0x80, $0x38;
	[tilespmem:$0x18900] =	vst v63  }
0x14f: {  	_ =	swait.ge [sflag:s12], $0x80  }
0x150: {  	[sflag:s12] =	ssyncset.done $0x0  }
0x151: {  	[sflag:s12] =	ssyncadd.s32 $0xFFFFFF80  }
0x152: {  	_ =	sfence.sel $0x180000  }
0x153: {  	[bflag:$0x0] =	sbarrier.arrive $0xFFFF  }
0x154: {  	p0 =	sne.s32 s1, $0x0;
	_ =	strace $0x90000047  }
0x155: {  	s0 =	sadd.s32 @!p0 $0x100000, s0;
	[bflag:$0x2] =	sbarrier.arrive $0xFFFF  }
0x156: {  	[sflag:s0] =	ssyncadd.tile.s32 @!p0 $0x1;
	_ =	shalt  }
.Lfunc_end2:
_tile_overlayer_lowered:
.L_overlay_start_2:
0x157: {  	(tag) =	ssettag $0x2  }
0x158: {  	s0 =	rddreg [dreg:$0x0];
	s2 =	stileid.u32  }
0x159: {  	s1 =	rddreg [dreg:$0x1];
	p0 =	sne.s32 s2, $0x0  }
0x15a: {  	s3 =	rddreg [dreg:$0x2];
	[bflag:$0x3] =	sbarrier.arrive $0xFFFF;
	s2 =	simm.s32 @!p0 $0x1C01  }
0x15b: {  	[timem:s3], [sflag:s2] =	dma.local @!p0 [hbm:s0], s1  }
0x15c: {  	s0 =	simm.s32 @!p0 $0x1  }
0x15d: {  	_ =	swait.ge @!p0 [sflag:s0], s1  }
0x15e: {  	s1 =	ssub.s32 @!p0 $0x0, s1;
	[sflag:s0] =	ssyncset.done @!p0 $0x0  }
0x15f: {  	[sflag:s0] =	ssyncadd.s32 @!p0 s1  }
0x160: {  	[bflag:$0x3] =	sbarrier.arrive $0xFFFF  }
0x161: {  	_ =	shalt  }

</sc_bundles>
